<compile_context>
chip_gen: v7x
topology: tpu7x:2x2x1
jax: 0.10.2.dev20260603
libtpu: 0.0.44.dev20260713+nightly
codegen_flags: <defaults>
</compile_context>

<pallas_src>
import functools

import jax
import jax.numpy as jnp
from jax import lax
from jax.experimental import pallas as pl
from jax.experimental.pallas import tpu as pltpu
from jax.experimental.pallas import tpu_sc as plsc

_NC = 2
_N_OUT = 32

_COLS = (35, 45, 31, 63, 7, 4, 29, 44, 16, 58, 37, 19, 61, 2, 34, 5,
         30, 42, 3, 39, 56, 22, 6, 54, 18, 10, 11, 53, 32, 15, 49, 50)

_LANES = 16


@functools.cache
def _build(n_nodes: int, batch: int):
    mesh = plsc.VectorSubcoreMesh(core_axis_name="c", subcore_axis_name="s")

    @functools.partial(
        pl.kernel,
        mesh=mesh,
        compiler_params=pltpu.CompilerParams(needs_layout_passes=False),
        out_type=jax.ShapeDtypeStruct((_N_OUT, batch), jnp.int32),
        scratch_types=[
            pltpu.VMEM((n_nodes,), jnp.int32),
            pltpu.VMEM((batch,), jnp.int32),
            pltpu.VMEM((3 * (batch // 4),), jnp.int32),
            pltpu.VMEM_SHARED((batch,), jnp.int32),
            pltpu.SemaphoreType.DMA,
            pltpu.SemaphoreType.DMA,
        ],
    )
    def sampler(adj_t_hbm, ids_hbm, out_t_hbm, row_v, ids_v, out_v,
                ids_sh, row_sem, out_sem):
        sid = lax.axis_index("s")
        wid = sid * _NC + lax.axis_index("c")
        quarter = batch // 4
        for j, c in enumerate(_COLS):
            @pl.when(wid == j)
            def _():
                pltpu.async_copy(adj_t_hbm.at[c], row_v, row_sem)
        @pl.when(sid == 0)
        def _():
            pltpu.sync_copy(ids_hbm, ids_sh)
        plsc.subcore_barrier()
        pltpu.sync_copy(ids_sh, ids_v)
        pltpu.make_async_copy(adj_t_hbm.at[0], row_v, row_sem).wait()

        for h in range(4):
            slot = h % 3
            if h >= 3:
                pltpu.make_async_copy(
                    out_v.at[pl.ds(slot * quarter, quarter)],
                    out_t_hbm.at[wid, pl.ds(0, quarter)], out_sem).wait()

            @plsc.parallel_loop(0, quarter // _LANES, 1, unroll=8)
            def sel(i):
                idv = ids_v[pl.ds(h * quarter + i * _LANES, _LANES)]
                out_v[pl.ds(slot * quarter + i * _LANES, _LANES)] = (
                    plsc.load_gather(row_v, [idv]))

            pltpu.async_copy(out_v.at[pl.ds(slot * quarter, quarter)],
                             out_t_hbm.at[wid, pl.ds(h * quarter, quarter)],
                             out_sem)
        for _ in range(3):
            pltpu.make_async_copy(out_v.at[pl.ds(0, quarter)],
                                  out_t_hbm.at[wid, pl.ds(0, quarter)],
                                  out_sem).wait()

    return sampler


def kernel(adj_info, ids, num_samples):
    del num_samples
    n_nodes, max_degree = adj_info.shape
    batch = ids.shape[0]
    assert max_degree == 64, "sampled-slot constant assumes 64 neighbor slots"
    assert batch % (4 * _LANES) == 0
    f = _build(n_nodes, batch)
    out_t = f(jnp.transpose(adj_info), ids)
    return jnp.transpose(out_t)

# --- scband reference (transcript-rebuilt; emitter-appended) ---
"""Pipeline reference for scband-uniform-neighbor-sampler-45612552683930 (READ-ONLY COPY).

The authoritative reference and input builder live on the scoring server;
editing this copy changes nothing except your own understanding.
"""

import jax, jax.numpy as jnp
import numpy as np

def setup_inputs(seed: int = 0) -> dict:
    key = jax.random.key(seed)
    k1, k2 = jax.random.split(key)
    n_nodes = 100000
    max_degree = 64
    batch = 16384
    adj_info = jax.random.randint(k1, (n_nodes, max_degree), 0, n_nodes, dtype=jnp.int64 if jax.config.jax_enable_x64 else jnp.int32).astype(jnp.int32)
    ids = jax.random.randint(k2, (batch,), 0, n_nodes, dtype=jnp.int32)
    num_samples = 32
    return {"adj_info": adj_info, "ids": ids, "num_samples": num_samples}

def reference(adj_info, ids, num_samples):
    # embedding_lookup: gather padded adjacency rows for the batch of node ids
    adj_lists = jnp.take(adj_info, ids, axis=0)  # [B, max_degree]
    # transpose -> shuffle rows (i.e. shuffle neighbor slots with one shared permutation) -> transpose back
    adj_lists_T = jnp.transpose(adj_lists)  # [max_degree, B]
    perm = jax.random.permutation(jax.random.key(42), adj_lists_T.shape[0])
    shuffled_adj_lists_T = jnp.take(adj_lists_T, perm, axis=0)
    adj_lists = jnp.transpose(shuffled_adj_lists_T)  # [B, max_degree]
    # slice first num_samples neighbor slots (uniform sample since slots were shuffled)
    start_col = num_samples - num_samples
    adj_lists = jax.lax.dynamic_slice(adj_lists, (start_col - start_col, start_col), (adj_lists.shape[0], 32))
    # geto_adj_info is None -> return (adj_lists, None); harness: return adj_lists only
    return adj_lists

if __name__ == "__main__":
    import jax
    _d = setup_inputs()
    print(jax.jit(kernel)(*tuple(_d.values())))

</pallas_src>

<mosaic_0001>
#map = affine_map<(d0, d1) -> (0, 0)>
#map1 = affine_map<(d0, d1) -> (0)>
module attributes {stable_mosaic.version = 14 : i64} {
  func.func @sampler(%arg0: i32, %arg1: i32, %arg2: memref<64x100000xi32, #tpu.memory_space<hbm>>, %arg3: memref<16384xi32, #tpu.memory_space<hbm>>, %arg4: memref<32x16384xi32, #tpu.memory_space<hbm>>, %arg5: memref<100000xi32, #tpu.memory_space<vmem>>, %arg6: memref<16384xi32, #tpu.memory_space<vmem>>, %arg7: memref<12288xi32, #tpu.memory_space<vmem>>, %arg8: memref<16384xi32, #tpu.memory_space<vmem_shared>>, %arg9: memref<!tpu.dma_semaphore, #tpu.memory_space<semaphore_mem>>, %arg10: memref<!tpu.dma_semaphore, #tpu.memory_space<semaphore_mem>>) attributes {dimension_semantics = [#tpu.dimension_semantics<core_parallel>, #tpu.dimension_semantics<subcore_parallel>], iteration_bounds = array<i64: 2, 16>, scalar_prefetch = 0 : i64, scratch_operands = 6 : i64, tpu.core_type = #tpu.core_type<sc_vector_subcore>, window_params = [{transform_indices = #map}, {transform_indices = #map1}, {transform_indices = #map}]} {
    %mul3A = arith.constant 2 : i32
    %mul3A_0 = arith.muli %arg1, %mul3A : i32
    %add3A = arith.addi %mul3A_0, %arg0 : i32
    %eq3A = arith.constant 0 : i32
    %eq3A_1 = arith.cmpi eq, %add3A, %eq3A : i32
    %convert_element_type3A = arith.extui %eq3A_1 : i1 to i32
    %cond3A = arith.constant 0 : i32
    %cond3A_2 = arith.cmpi ne, %convert_element_type3A, %cond3A : i32
    scf.if %cond3A_2 {
      %dma_start3A_259 = arith.constant 35 : i32
      %dma_start3A_260 = arith.constant 0 : i32
      %dma_start3A_261 = tpu.memref_slice %arg2[%dma_start3A_259, %dma_start3A_260] : memref<64x100000xi32, #tpu.memory_space<hbm>> -> memref<1x100000xi32, #tpu.memory_space<hbm>>
      %dma_start3A_262 = tpu.memref_squeeze %dma_start3A_261 : memref<1x100000xi32, #tpu.memory_space<hbm>> -> memref<100000xi32, #tpu.memory_space<hbm>>
      %dma_start3A_263 = arith.constant 0 : i32
      %dma_start3A_264 = tpu.memref_slice %arg2[%dma_start3A_259, %dma_start3A_263] : memref<64x100000xi32, #tpu.memory_space<hbm>> -> memref<1x100000xi32, #tpu.memory_space<hbm>>
      %dma_start3A_265 = tpu.memref_squeeze %dma_start3A_264 : memref<1x100000xi32, #tpu.memory_space<hbm>> -> memref<100000xi32, #tpu.memory_space<hbm>>
      tpu.enqueue_dma source(%dma_start3A_265 : memref<100000xi32, #tpu.memory_space<hbm>>) target(%arg5 : memref<100000xi32, #tpu.memory_space<vmem>>) target_semaphore(%arg9 : memref<!tpu.dma_semaphore, #tpu.memory_space<semaphore_mem>>)
    } else {
    }
    %eq3A_3 = arith.constant 1 : i32
    %eq3A_4 = arith.cmpi eq, %add3A, %eq3A_3 : i32
    %convert_element_type3A_5 = arith.extui %eq3A_4 : i1 to i32
    %cond3A_6 = arith.constant 0 : i32
    %cond3A_7 = arith.cmpi ne, %convert_element_type3A_5, %cond3A_6 : i32
    scf.if %cond3A_7 {
      %dma_start3A_259 = arith.constant 45 : i32
      %dma_start3A_260 = arith.constant 0 : i32
      %dma_start3A_261 = tpu.memref_slice %arg2[%dma_start3A_259, %dma_start3A_260] : memref<64x100000xi32, #tpu.memory_space<hbm>> -> memref<1x100000xi32, #tpu.memory_space<hbm>>
      %dma_start3A_262 = tpu.memref_squeeze %dma_start3A_261 : memref<1x100000xi32, #tpu.memory_space<hbm>> -> memref<100000xi32, #tpu.memory_space<hbm>>
      %dma_start3A_263 = arith.constant 0 : i32
      %dma_start3A_264 = tpu.memref_slice %arg2[%dma_start3A_259, %dma_start3A_263] : memref<64x100000xi32, #tpu.memory_space<hbm>> -> memref<1x100000xi32, #tpu.memory_space<hbm>>
      %dma_start3A_265 = tpu.memref_squeeze %dma_start3A_264 : memref<1x100000xi32, #tpu.memory_space<hbm>> -> memref<100000xi32, #tpu.memory_space<hbm>>
      tpu.enqueue_dma source(%dma_start3A_265 : memref<100000xi32, #tpu.memory_space<hbm>>) target(%arg5 : memref<100000xi32, #tpu.memory_space<vmem>>) target_semaphore(%arg9 : memref<!tpu.dma_semaphore, #tpu.memory_space<semaphore_mem>>)
    } else {
    }
    %eq3A_8 = arith.constant 2 : i32
    %eq3A_9 = arith.cmpi eq, %add3A, %eq3A_8 : i32
    %convert_element_type3A_10 = arith.extui %eq3A_9 : i1 to i32
    %cond3A_11 = arith.constant 0 : i32
    %cond3A_12 = arith.cmpi ne, %convert_element_type3A_10, %cond3A_11 : i32
    scf.if %cond3A_12 {
      %dma_start3A_259 = arith.constant 31 : i32
      %dma_start3A_260 = arith.constant 0 : i32
      %dma_start3A_261 = tpu.memref_slice %arg2[%dma_start3A_259, %dma_start3A_260] : memref<64x100000xi32, #tpu.memory_space<hbm>> -> memref<1x100000xi32, #tpu.memory_space<hbm>>
      %dma_start3A_262 = tpu.memref_squeeze %dma_start3A_261 : memref<1x100000xi32, #tpu.memory_space<hbm>> -> memref<100000xi32, #tpu.memory_space<hbm>>
      %dma_start3A_263 = arith.constant 0 : i32
      %dma_start3A_264 = tpu.memref_slice %arg2[%dma_start3A_259, %dma_start3A_263] : memref<64x100000xi32, #tpu.memory_space<hbm>> -> memref<1x100000xi32, #tpu.memory_space<hbm>>
      %dma_start3A_265 = tpu.memref_squeeze %dma_start3A_264 : memref<1x100000xi32, #tpu.memory_space<hbm>> -> memref<100000xi32, #tpu.memory_space<hbm>>
      tpu.enqueue_dma source(%dma_start3A_265 : memref<100000xi32, #tpu.memory_space<hbm>>) target(%arg5 : memref<100000xi32, #tpu.memory_space<vmem>>) target_semaphore(%arg9 : memref<!tpu.dma_semaphore, #tpu.memory_space<semaphore_mem>>)
    } else {
    }
    %eq3A_13 = arith.constant 3 : i32
    %eq3A_14 = arith.cmpi eq, %add3A, %eq3A_13 : i32
    %convert_element_type3A_15 = arith.extui %eq3A_14 : i1 to i32
    %cond3A_16 = arith.constant 0 : i32
    %cond3A_17 = arith.cmpi ne, %convert_element_type3A_15, %cond3A_16 : i32
    scf.if %cond3A_17 {
      %dma_start3A_259 = arith.constant 63 : i32
      %dma_start3A_260 = arith.constant 0 : i32
      %dma_start3A_261 = tpu.memref_slice %arg2[%dma_start3A_259, %dma_start3A_260] : memref<64x100000xi32, #tpu.memory_space<hbm>> -> memref<1x100000xi32, #tpu.memory_space<hbm>>
      %dma_start3A_262 = tpu.memref_squeeze %dma_start3A_261 : memref<1x100000xi32, #tpu.memory_space<hbm>> -> memref<100000xi32, #tpu.memory_space<hbm>>
      %dma_start3A_263 = arith.constant 0 : i32
      %dma_start3A_264 = tpu.memref_slice %arg2[%dma_start3A_259, %dma_start3A_263] : memref<64x100000xi32, #tpu.memory_space<hbm>> -> memref<1x100000xi32, #tpu.memory_space<hbm>>
      %dma_start3A_265 = tpu.memref_squeeze %dma_start3A_264 : memref<1x100000xi32, #tpu.memory_space<hbm>> -> memref<100000xi32, #tpu.memory_space<hbm>>
      tpu.enqueue_dma source(%dma_start3A_265 : memref<100000xi32, #tpu.memory_space<hbm>>) target(%arg5 : memref<100000xi32, #tpu.memory_space<vmem>>) target_semaphore(%arg9 : memref<!tpu.dma_semaphore, #tpu.memory_space<semaphore_mem>>)
    } else {
    }
    %eq3A_18 = arith.constant 4 : i32
    %eq3A_19 = arith.cmpi eq, %add3A, %eq3A_18 : i32
    %convert_element_type3A_20 = arith.extui %eq3A_19 : i1 to i32
    %cond3A_21 = arith.constant 0 : i32
    %cond3A_22 = arith.cmpi ne, %convert_element_type3A_20, %cond3A_21 : i32
    scf.if %cond3A_22 {
      %dma_start3A_259 = arith.constant 7 : i32
      %dma_start3A_260 = arith.constant 0 : i32
      %dma_start3A_261 = tpu.memref_slice %arg2[%dma_start3A_259, %dma_start3A_260] : memref<64x100000xi32, #tpu.memory_space<hbm>> -> memref<1x100000xi32, #tpu.memory_space<hbm>>
      %dma_start3A_262 = tpu.memref_squeeze %dma_start3A_261 : memref<1x100000xi32, #tpu.memory_space<hbm>> -> memref<100000xi32, #tpu.memory_space<hbm>>
      %dma_start3A_263 = arith.constant 0 : i32
      %dma_start3A_264 = tpu.memref_slice %arg2[%dma_start3A_259, %dma_start3A_263] : memref<64x100000xi32, #tpu.memory_space<hbm>> -> memref<1x100000xi32, #tpu.memory_space<hbm>>
      %dma_start3A_265 = tpu.memref_squeeze %dma_start3A_264 : memref<1x100000xi32, #tpu.memory_space<hbm>> -> memref<100000xi32, #tpu.memory_space<hbm>>
      tpu.enqueue_dma source(%dma_start3A_265 : memref<100000xi32, #tpu.memory_space<hbm>>) target(%arg5 : memref<100000xi32, #tpu.memory_space<vmem>>) target_semaphore(%arg9 : memref<!tpu.dma_semaphore, #tpu.memory_space<semaphore_mem>>)
    } else {
    }
    %eq3A_23 = arith.constant 5 : i32
    %eq3A_24 = arith.cmpi eq, %add3A, %eq3A_23 : i32
    %convert_element_type3A_25 = arith.extui %eq3A_24 : i1 to i32
    %cond3A_26 = arith.constant 0 : i32
    %cond3A_27 = arith.cmpi ne, %convert_element_type3A_25, %cond3A_26 : i32
    scf.if %cond3A_27 {
      %dma_start3A_259 = arith.constant 4 : i32
      %dma_start3A_260 = arith.constant 0 : i32
      %dma_start3A_261 = tpu.memref_slice %arg2[%dma_start3A_259, %dma_start3A_260] : memref<64x100000xi32, #tpu.memory_space<hbm>> -> memref<1x100000xi32, #tpu.memory_space<hbm>>
      %dma_start3A_262 = tpu.memref_squeeze %dma_start3A_261 : memref<1x100000xi32, #tpu.memory_space<hbm>> -> memref<100000xi32, #tpu.memory_space<hbm>>
      %dma_start3A_263 = arith.constant 0 : i32
      %dma_start3A_264 = tpu.memref_slice %arg2[%dma_start3A_259, %dma_start3A_263] : memref<64x100000xi32, #tpu.memory_space<hbm>> -> memref<1x100000xi32, #tpu.memory_space<hbm>>
      %dma_start3A_265 = tpu.memref_squeeze %dma_start3A_264 : memref<1x100000xi32, #tpu.memory_space<hbm>> -> memref<100000xi32, #tpu.memory_space<hbm>>
      tpu.enqueue_dma source(%dma_start3A_265 : memref<100000xi32, #tpu.memory_space<hbm>>) target(%arg5 : memref<100000xi32, #tpu.memory_space<vmem>>) target_semaphore(%arg9 : memref<!tpu.dma_semaphore, #tpu.memory_space<semaphore_mem>>)
    } else {
    }
    %eq3A_28 = arith.constant 6 : i32
    %eq3A_29 = arith.cmpi eq, %add3A, %eq3A_28 : i32
    %convert_element_type3A_30 = arith.extui %eq3A_29 : i1 to i32
    %cond3A_31 = arith.constant 0 : i32
    %cond3A_32 = arith.cmpi ne, %convert_element_type3A_30, %cond3A_31 : i32
    scf.if %cond3A_32 {
      %dma_start3A_259 = arith.constant 29 : i32
      %dma_start3A_260 = arith.constant 0 : i32
      %dma_start3A_261 = tpu.memref_slice %arg2[%dma_start3A_259, %dma_start3A_260] : memref<64x100000xi32, #tpu.memory_space<hbm>> -> memref<1x100000xi32, #tpu.memory_space<hbm>>
      %dma_start3A_262 = tpu.memref_squeeze %dma_start3A_261 : memref<1x100000xi32, #tpu.memory_space<hbm>> -> memref<100000xi32, #tpu.memory_space<hbm>>
      %dma_start3A_263 = arith.constant 0 : i32
      %dma_start3A_264 = tpu.memref_slice %arg2[%dma_start3A_259, %dma_start3A_263] : memref<64x100000xi32, #tpu.memory_space<hbm>> -> memref<1x100000xi32, #tpu.memory_space<hbm>>
      %dma_start3A_265 = tpu.memref_squeeze %dma_start3A_264 : memref<1x100000xi32, #tpu.memory_space<hbm>> -> memref<100000xi32, #tpu.memory_space<hbm>>
      tpu.enqueue_dma source(%dma_start3A_265 : memref<100000xi32, #tpu.memory_space<hbm>>) target(%arg5 : memref<100000xi32, #tpu.memory_space<vmem>>) target_semaphore(%arg9 : memref<!tpu.dma_semaphore, #tpu.memory_space<semaphore_mem>>)
    } else {
    }
    %eq3A_33 = arith.constant 7 : i32
    %eq3A_34 = arith.cmpi eq, %add3A, %eq3A_33 : i32
    %convert_element_type3A_35 = arith.extui %eq3A_34 : i1 to i32
    %cond3A_36 = arith.constant 0 : i32
    %cond3A_37 = arith.cmpi ne, %convert_element_type3A_35, %cond3A_36 : i32
    scf.if %cond3A_37 {
      %dma_start3A_259 = arith.constant 44 : i32
      %dma_start3A_260 = arith.constant 0 : i32
      %dma_start3A_261 = tpu.memref_slice %arg2[%dma_start3A_259, %dma_start3A_260] : memref<64x100000xi32, #tpu.memory_space<hbm>> -> memref<1x100000xi32, #tpu.memory_space<hbm>>
      %dma_start3A_262 = tpu.memref_squeeze %dma_start3A_261 : memref<1x100000xi32, #tpu.memory_space<hbm>> -> memref<100000xi32, #tpu.memory_space<hbm>>
      %dma_start3A_263 = arith.constant 0 : i32
      %dma_start3A_264 = tpu.memref_slice %arg2[%dma_start3A_259, %dma_start3A_263] : memref<64x100000xi32, #tpu.memory_space<hbm>> -> memref<1x100000xi32, #tpu.memory_space<hbm>>
      %dma_start3A_265 = tpu.memref_squeeze %dma_start3A_264 : memref<1x100000xi32, #tpu.memory_space<hbm>> -> memref<100000xi32, #tpu.memory_space<hbm>>
      tpu.enqueue_dma source(%dma_start3A_265 : memref<100000xi32, #tpu.memory_space<hbm>>) target(%arg5 : memref<100000xi32, #tpu.memory_space<vmem>>) target_semaphore(%arg9 : memref<!tpu.dma_semaphore, #tpu.memory_space<semaphore_mem>>)
    } else {
    }
    %eq3A_38 = arith.constant 8 : i32
    %eq3A_39 = arith.cmpi eq, %add3A, %eq3A_38 : i32
    %convert_element_type3A_40 = arith.extui %eq3A_39 : i1 to i32
    %cond3A_41 = arith.constant 0 : i32
    %cond3A_42 = arith.cmpi ne, %convert_element_type3A_40, %cond3A_41 : i32
    scf.if %cond3A_42 {
      %dma_start3A_259 = arith.constant 16 : i32
      %dma_start3A_260 = arith.constant 0 : i32
      %dma_start3A_261 = tpu.memref_slice %arg2[%dma_start3A_259, %dma_start3A_260] : memref<64x100000xi32, #tpu.memory_space<hbm>> -> memref<1x100000xi32, #tpu.memory_space<hbm>>
      %dma_start3A_262 = tpu.memref_squeeze %dma_start3A_261 : memref<1x100000xi32, #tpu.memory_space<hbm>> -> memref<100000xi32, #tpu.memory_space<hbm>>
      %dma_start3A_263 = arith.constant 0 : i32
      %dma_start3A_264 = tpu.memref_slice %arg2[%dma_start3A_259, %dma_start3A_263] : memref<64x100000xi32, #tpu.memory_space<hbm>> -> memref<1x100000xi32, #tpu.memory_space<hbm>>
      %dma_start3A_265 = tpu.memref_squeeze %dma_start3A_264 : memref<1x100000xi32, #tpu.memory_space<hbm>> -> memref<100000xi32, #tpu.memory_space<hbm>>
      tpu.enqueue_dma source(%dma_start3A_265 : memref<100000xi32, #tpu.memory_space<hbm>>) target(%arg5 : memref<100000xi32, #tpu.memory_space<vmem>>) target_semaphore(%arg9 : memref<!tpu.dma_semaphore, #tpu.memory_space<semaphore_mem>>)
    } else {
    }
    %eq3A_43 = arith.constant 9 : i32
    %eq3A_44 = arith.cmpi eq, %add3A, %eq3A_43 : i32
    %convert_element_type3A_45 = arith.extui %eq3A_44 : i1 to i32
    %cond3A_46 = arith.constant 0 : i32
    %cond3A_47 = arith.cmpi ne, %convert_element_type3A_45, %cond3A_46 : i32
    scf.if %cond3A_47 {
      %dma_start3A_259 = arith.constant 58 : i32
      %dma_start3A_260 = arith.constant 0 : i32
      %dma_start3A_261 = tpu.memref_slice %arg2[%dma_start3A_259, %dma_start3A_260] : memref<64x100000xi32, #tpu.memory_space<hbm>> -> memref<1x100000xi32, #tpu.memory_space<hbm>>
      %dma_start3A_262 = tpu.memref_squeeze %dma_start3A_261 : memref<1x100000xi32, #tpu.memory_space<hbm>> -> memref<100000xi32, #tpu.memory_space<hbm>>
      %dma_start3A_263 = arith.constant 0 : i32
      %dma_start3A_264 = tpu.memref_slice %arg2[%dma_start3A_259, %dma_start3A_263] : memref<64x100000xi32, #tpu.memory_space<hbm>> -> memref<1x100000xi32, #tpu.memory_space<hbm>>
      %dma_start3A_265 = tpu.memref_squeeze %dma_start3A_264 : memref<1x100000xi32, #tpu.memory_space<hbm>> -> memref<100000xi32, #tpu.memory_space<hbm>>
      tpu.enqueue_dma source(%dma_start3A_265 : memref<100000xi32, #tpu.memory_space<hbm>>) target(%arg5 : memref<100000xi32, #tpu.memory_space<vmem>>) target_semaphore(%arg9 : memref<!tpu.dma_semaphore, #tpu.memory_space<semaphore_mem>>)
    } else {
    }
    %eq3A_48 = arith.constant 10 : i32
    %eq3A_49 = arith.cmpi eq, %add3A, %eq3A_48 : i32
    %convert_element_type3A_50 = arith.extui %eq3A_49 : i1 to i32
    %cond3A_51 = arith.constant 0 : i32
    %cond3A_52 = arith.cmpi ne, %convert_element_type3A_50, %cond3A_51 : i32
    scf.if %cond3A_52 {
      %dma_start3A_259 = arith.constant 37 : i32
      %dma_start3A_260 = arith.constant 0 : i32
      %dma_start3A_261 = tpu.memref_slice %arg2[%dma_start3A_259, %dma_start3A_260] : memref<64x100000xi32, #tpu.memory_space<hbm>> -> memref<1x100000xi32, #tpu.memory_space<hbm>>
      %dma_start3A_262 = tpu.memref_squeeze %dma_start3A_261 : memref<1x100000xi32, #tpu.memory_space<hbm>> -> memref<100000xi32, #tpu.memory_space<hbm>>
      %dma_start3A_263 = arith.constant 0 : i32
      %dma_start3A_264 = tpu.memref_slice %arg2[%dma_start3A_259, %dma_start3A_263] : memref<64x100000xi32, #tpu.memory_space<hbm>> -> memref<1x100000xi32, #tpu.memory_space<hbm>>
      %dma_start3A_265 = tpu.memref_squeeze %dma_start3A_264 : memref<1x100000xi32, #tpu.memory_space<hbm>> -> memref<100000xi32, #tpu.memory_space<hbm>>
      tpu.enqueue_dma source(%dma_start3A_265 : memref<100000xi32, #tpu.memory_space<hbm>>) target(%arg5 : memref<100000xi32, #tpu.memory_space<vmem>>) target_semaphore(%arg9 : memref<!tpu.dma_semaphore, #tpu.memory_space<semaphore_mem>>)
    } else {
    }
    %eq3A_53 = arith.constant 11 : i32
    %eq3A_54 = arith.cmpi eq, %add3A, %eq3A_53 : i32
    %convert_element_type3A_55 = arith.extui %eq3A_54 : i1 to i32
    %cond3A_56 = arith.constant 0 : i32
    %cond3A_57 = arith.cmpi ne, %convert_element_type3A_55, %cond3A_56 : i32
    scf.if %cond3A_57 {
      %dma_start3A_259 = arith.constant 19 : i32
      %dma_start3A_260 = arith.constant 0 : i32
      %dma_start3A_261 = tpu.memref_slice %arg2[%dma_start3A_259, %dma_start3A_260] : memref<64x100000xi32, #tpu.memory_space<hbm>> -> memref<1x100000xi32, #tpu.memory_space<hbm>>
      %dma_start3A_262 = tpu.memref_squeeze %dma_start3A_261 : memref<1x100000xi32, #tpu.memory_space<hbm>> -> memref<100000xi32, #tpu.memory_space<hbm>>
      %dma_start3A_263 = arith.constant 0 : i32
      %dma_start3A_264 = tpu.memref_slice %arg2[%dma_start3A_259, %dma_start3A_263] : memref<64x100000xi32, #tpu.memory_space<hbm>> -> memref<1x100000xi32, #tpu.memory_space<hbm>>
      %dma_start3A_265 = tpu.memref_squeeze %dma_start3A_264 : memref<1x100000xi32, #tpu.memory_space<hbm>> -> memref<100000xi32, #tpu.memory_space<hbm>>
      tpu.enqueue_dma source(%dma_start3A_265 : memref<100000xi32, #tpu.memory_space<hbm>>) target(%arg5 : memref<100000xi32, #tpu.memory_space<vmem>>) target_semaphore(%arg9 : memref<!tpu.dma_semaphore, #tpu.memory_space<semaphore_mem>>)
    } else {
    }
    %eq3A_58 = arith.constant 12 : i32
    %eq3A_59 = arith.cmpi eq, %add3A, %eq3A_58 : i32
    %convert_element_type3A_60 = arith.extui %eq3A_59 : i1 to i32
    %cond3A_61 = arith.constant 0 : i32
    %cond3A_62 = arith.cmpi ne, %convert_element_type3A_60, %cond3A_61 : i32
    scf.if %cond3A_62 {
      %dma_start3A_259 = arith.constant 61 : i32
      %dma_start3A_260 = arith.constant 0 : i32
      %dma_start3A_261 = tpu.memref_slice %arg2[%dma_start3A_259, %dma_start3A_260] : memref<64x100000xi32, #tpu.memory_space<hbm>> -> memref<1x100000xi32, #tpu.memory_space<hbm>>
      %dma_start3A_262 = tpu.memref_squeeze %dma_start3A_261 : memref<1x100000xi32, #tpu.memory_space<hbm>> -> memref<100000xi32, #tpu.memory_space<hbm>>
      %dma_start3A_263 = arith.constant 0 : i32
      %dma_start3A_264 = tpu.memref_slice %arg2[%dma_start3A_259, %dma_start3A_263] : memref<64x100000xi32, #tpu.memory_space<hbm>> -> memref<1x100000xi32, #tpu.memory_space<hbm>>
      %dma_start3A_265 = tpu.memref_squeeze %dma_start3A_264 : memref<1x100000xi32, #tpu.memory_space<hbm>> -> memref<100000xi32, #tpu.memory_space<hbm>>
      tpu.enqueue_dma source(%dma_start3A_265 : memref<100000xi32, #tpu.memory_space<hbm>>) target(%arg5 : memref<100000xi32, #tpu.memory_space<vmem>>) target_semaphore(%arg9 : memref<!tpu.dma_semaphore, #tpu.memory_space<semaphore_mem>>)
    } else {
    }
    %eq3A_63 = arith.constant 13 : i32
    %eq3A_64 = arith.cmpi eq, %add3A, %eq3A_63 : i32
    %convert_element_type3A_65 = arith.extui %eq3A_64 : i1 to i32
    %cond3A_66 = arith.constant 0 : i32
    %cond3A_67 = arith.cmpi ne, %convert_element_type3A_65, %cond3A_66 : i32
    scf.if %cond3A_67 {
      %dma_start3A_259 = arith.constant 2 : i32
      %dma_start3A_260 = arith.constant 0 : i32
      %dma_start3A_261 = tpu.memref_slice %arg2[%dma_start3A_259, %dma_start3A_260] : memref<64x100000xi32, #tpu.memory_space<hbm>> -> memref<1x100000xi32, #tpu.memory_space<hbm>>
      %dma_start3A_262 = tpu.memref_squeeze %dma_start3A_261 : memref<1x100000xi32, #tpu.memory_space<hbm>> -> memref<100000xi32, #tpu.memory_space<hbm>>
      %dma_start3A_263 = arith.constant 0 : i32
      %dma_start3A_264 = tpu.memref_slice %arg2[%dma_start3A_259, %dma_start3A_263] : memref<64x100000xi32, #tpu.memory_space<hbm>> -> memref<1x100000xi32, #tpu.memory_space<hbm>>
      %dma_start3A_265 = tpu.memref_squeeze %dma_start3A_264 : memref<1x100000xi32, #tpu.memory_space<hbm>> -> memref<100000xi32, #tpu.memory_space<hbm>>
      tpu.enqueue_dma source(%dma_start3A_265 : memref<100000xi32, #tpu.memory_space<hbm>>) target(%arg5 : memref<100000xi32, #tpu.memory_space<vmem>>) target_semaphore(%arg9 : memref<!tpu.dma_semaphore, #tpu.memory_space<semaphore_mem>>)
    } else {
    }
    %eq3A_68 = arith.constant 14 : i32
    %eq3A_69 = arith.cmpi eq, %add3A, %eq3A_68 : i32
    %convert_element_type3A_70 = arith.extui %eq3A_69 : i1 to i32
    %cond3A_71 = arith.constant 0 : i32
    %cond3A_72 = arith.cmpi ne, %convert_element_type3A_70, %cond3A_71 : i32
    scf.if %cond3A_72 {
      %dma_start3A_259 = arith.constant 34 : i32
      %dma_start3A_260 = arith.constant 0 : i32
      %dma_start3A_261 = tpu.memref_slice %arg2[%dma_start3A_259, %dma_start3A_260] : memref<64x100000xi32, #tpu.memory_space<hbm>> -> memref<1x100000xi32, #tpu.memory_space<hbm>>
      %dma_start3A_262 = tpu.memref_squeeze %dma_start3A_261 : memref<1x100000xi32, #tpu.memory_space<hbm>> -> memref<100000xi32, #tpu.memory_space<hbm>>
      %dma_start3A_263 = arith.constant 0 : i32
      %dma_start3A_264 = tpu.memref_slice %arg2[%dma_start3A_259, %dma_start3A_263] : memref<64x100000xi32, #tpu.memory_space<hbm>> -> memref<1x100000xi32, #tpu.memory_space<hbm>>
      %dma_start3A_265 = tpu.memref_squeeze %dma_start3A_264 : memref<1x100000xi32, #tpu.memory_space<hbm>> -> memref<100000xi32, #tpu.memory_space<hbm>>
      tpu.enqueue_dma source(%dma_start3A_265 : memref<100000xi32, #tpu.memory_space<hbm>>) target(%arg5 : memref<100000xi32, #tpu.memory_space<vmem>>) target_semaphore(%arg9 : memref<!tpu.dma_semaphore, #tpu.memory_space<semaphore_mem>>)
    } else {
    }
    %eq3A_73 = arith.constant 15 : i32
    %eq3A_74 = arith.cmpi eq, %add3A, %eq3A_73 : i32
    %convert_element_type3A_75 = arith.extui %eq3A_74 : i1 to i32
    %cond3A_76 = arith.constant 0 : i32
    %cond3A_77 = arith.cmpi ne, %convert_element_type3A_75, %cond3A_76 : i32
    scf.if %cond3A_77 {
      %dma_start3A_259 = arith.constant 5 : i32
      %dma_start3A_260 = arith.constant 0 : i32
      %dma_start3A_261 = tpu.memref_slice %arg2[%dma_start3A_259, %dma_start3A_260] : memref<64x100000xi32, #tpu.memory_space<hbm>> -> memref<1x100000xi32, #tpu.memory_space<hbm>>
      %dma_start3A_262 = tpu.memref_squeeze %dma_start3A_261 : memref<1x100000xi32, #tpu.memory_space<hbm>> -> memref<100000xi32, #tpu.memory_space<hbm>>
      %dma_start3A_263 = arith.constant 0 : i32
      %dma_start3A_264 = tpu.memref_slice %arg2[%dma_start3A_259, %dma_start3A_263] : memref<64x100000xi32, #tpu.memory_space<hbm>> -> memref<1x100000xi32, #tpu.memory_space<hbm>>
      %dma_start3A_265 = tpu.memref_squeeze %dma_start3A_264 : memref<1x100000xi32, #tpu.memory_space<hbm>> -> memref<100000xi32, #tpu.memory_space<hbm>>
      tpu.enqueue_dma source(%dma_start3A_265 : memref<100000xi32, #tpu.memory_space<hbm>>) target(%arg5 : memref<100000xi32, #tpu.memory_space<vmem>>) target_semaphore(%arg9 : memref<!tpu.dma_semaphore, #tpu.memory_space<semaphore_mem>>)
    } else {
    }
    %eq3A_78 = arith.constant 16 : i32
    %eq3A_79 = arith.cmpi eq, %add3A, %eq3A_78 : i32
    %convert_element_type3A_80 = arith.extui %eq3A_79 : i1 to i32
    %cond3A_81 = arith.constant 0 : i32
    %cond3A_82 = arith.cmpi ne, %convert_element_type3A_80, %cond3A_81 : i32
    scf.if %cond3A_82 {
      %dma_start3A_259 = arith.constant 30 : i32
      %dma_start3A_260 = arith.constant 0 : i32
      %dma_start3A_261 = tpu.memref_slice %arg2[%dma_start3A_259, %dma_start3A_260] : memref<64x100000xi32, #tpu.memory_space<hbm>> -> memref<1x100000xi32, #tpu.memory_space<hbm>>
      %dma_start3A_262 = tpu.memref_squeeze %dma_start3A_261 : memref<1x100000xi32, #tpu.memory_space<hbm>> -> memref<100000xi32, #tpu.memory_space<hbm>>
      %dma_start3A_263 = arith.constant 0 : i32
      %dma_start3A_264 = tpu.memref_slice %arg2[%dma_start3A_259, %dma_start3A_263] : memref<64x100000xi32, #tpu.memory_space<hbm>> -> memref<1x100000xi32, #tpu.memory_space<hbm>>
      %dma_start3A_265 = tpu.memref_squeeze %dma_start3A_264 : memref<1x100000xi32, #tpu.memory_space<hbm>> -> memref<100000xi32, #tpu.memory_space<hbm>>
      tpu.enqueue_dma source(%dma_start3A_265 : memref<100000xi32, #tpu.memory_space<hbm>>) target(%arg5 : memref<100000xi32, #tpu.memory_space<vmem>>) target_semaphore(%arg9 : memref<!tpu.dma_semaphore, #tpu.memory_space<semaphore_mem>>)
    } else {
    }
    %eq3A_83 = arith.constant 17 : i32
    %eq3A_84 = arith.cmpi eq, %add3A, %eq3A_83 : i32
    %convert_element_type3A_85 = arith.extui %eq3A_84 : i1 to i32
    %cond3A_86 = arith.constant 0 : i32
    %cond3A_87 = arith.cmpi ne, %convert_element_type3A_85, %cond3A_86 : i32
    scf.if %cond3A_87 {
      %dma_start3A_259 = arith.constant 42 : i32
      %dma_start3A_260 = arith.constant 0 : i32
      %dma_start3A_261 = tpu.memref_slice %arg2[%dma_start3A_259, %dma_start3A_260] : memref<64x100000xi32, #tpu.memory_space<hbm>> -> memref<1x100000xi32, #tpu.memory_space<hbm>>
      %dma_start3A_262 = tpu.memref_squeeze %dma_start3A_261 : memref<1x100000xi32, #tpu.memory_space<hbm>> -> memref<100000xi32, #tpu.memory_space<hbm>>
      %dma_start3A_263 = arith.constant 0 : i32
      %dma_start3A_264 = tpu.memref_slice %arg2[%dma_start3A_259, %dma_start3A_263] : memref<64x100000xi32, #tpu.memory_space<hbm>> -> memref<1x100000xi32, #tpu.memory_space<hbm>>
      %dma_start3A_265 = tpu.memref_squeeze %dma_start3A_264 : memref<1x100000xi32, #tpu.memory_space<hbm>> -> memref<100000xi32, #tpu.memory_space<hbm>>
      tpu.enqueue_dma source(%dma_start3A_265 : memref<100000xi32, #tpu.memory_space<hbm>>) target(%arg5 : memref<100000xi32, #tpu.memory_space<vmem>>) target_semaphore(%arg9 : memref<!tpu.dma_semaphore, #tpu.memory_space<semaphore_mem>>)
    } else {
    }
    %eq3A_88 = arith.constant 18 : i32
    %eq3A_89 = arith.cmpi eq, %add3A, %eq3A_88 : i32
    %convert_element_type3A_90 = arith.extui %eq3A_89 : i1 to i32
    %cond3A_91 = arith.constant 0 : i32
    %cond3A_92 = arith.cmpi ne, %convert_element_type3A_90, %cond3A_91 : i32
    scf.if %cond3A_92 {
      %dma_start3A_259 = arith.constant 3 : i32
      %dma_start3A_260 = arith.constant 0 : i32
      %dma_start3A_261 = tpu.memref_slice %arg2[%dma_start3A_259, %dma_start3A_260] : memref<64x100000xi32, #tpu.memory_space<hbm>> -> memref<1x100000xi32, #tpu.memory_space<hbm>>
      %dma_start3A_262 = tpu.memref_squeeze %dma_start3A_261 : memref<1x100000xi32, #tpu.memory_space<hbm>> -> memref<100000xi32, #tpu.memory_space<hbm>>
      %dma_start3A_263 = arith.constant 0 : i32
      %dma_start3A_264 = tpu.memref_slice %arg2[%dma_start3A_259, %dma_start3A_263] : memref<64x100000xi32, #tpu.memory_space<hbm>> -> memref<1x100000xi32, #tpu.memory_space<hbm>>
      %dma_start3A_265 = tpu.memref_squeeze %dma_start3A_264 : memref<1x100000xi32, #tpu.memory_space<hbm>> -> memref<100000xi32, #tpu.memory_space<hbm>>
      tpu.enqueue_dma source(%dma_start3A_265 : memref<100000xi32, #tpu.memory_space<hbm>>) target(%arg5 : memref<100000xi32, #tpu.memory_space<vmem>>) target_semaphore(%arg9 : memref<!tpu.dma_semaphore, #tpu.memory_space<semaphore_mem>>)
    } else {
    }
    %eq3A_93 = arith.constant 19 : i32
    %eq3A_94 = arith.cmpi eq, %add3A, %eq3A_93 : i32
    %convert_element_type3A_95 = arith.extui %eq3A_94 : i1 to i32
    %cond3A_96 = arith.constant 0 : i32
    %cond3A_97 = arith.cmpi ne, %convert_element_type3A_95, %cond3A_96 : i32
    scf.if %cond3A_97 {
      %dma_start3A_259 = arith.constant 39 : i32
      %dma_start3A_260 = arith.constant 0 : i32
      %dma_start3A_261 = tpu.memref_slice %arg2[%dma_start3A_259, %dma_start3A_260] : memref<64x100000xi32, #tpu.memory_space<hbm>> -> memref<1x100000xi32, #tpu.memory_space<hbm>>
      %dma_start3A_262 = tpu.memref_squeeze %dma_start3A_261 : memref<1x100000xi32, #tpu.memory_space<hbm>> -> memref<100000xi32, #tpu.memory_space<hbm>>
      %dma_start3A_263 = arith.constant 0 : i32
      %dma_start3A_264 = tpu.memref_slice %arg2[%dma_start3A_259, %dma_start3A_263] : memref<64x100000xi32, #tpu.memory_space<hbm>> -> memref<1x100000xi32, #tpu.memory_space<hbm>>
      %dma_start3A_265 = tpu.memref_squeeze %dma_start3A_264 : memref<1x100000xi32, #tpu.memory_space<hbm>> -> memref<100000xi32, #tpu.memory_space<hbm>>
      tpu.enqueue_dma source(%dma_start3A_265 : memref<100000xi32, #tpu.memory_space<hbm>>) target(%arg5 : memref<100000xi32, #tpu.memory_space<vmem>>) target_semaphore(%arg9 : memref<!tpu.dma_semaphore, #tpu.memory_space<semaphore_mem>>)
    } else {
    }
    %eq3A_98 = arith.constant 20 : i32
    %eq3A_99 = arith.cmpi eq, %add3A, %eq3A_98 : i32
    %convert_element_type3A_100 = arith.extui %eq3A_99 : i1 to i32
    %cond3A_101 = arith.constant 0 : i32
    %cond3A_102 = arith.cmpi ne, %convert_element_type3A_100, %cond3A_101 : i32
    scf.if %cond3A_102 {
      %dma_start3A_259 = arith.constant 56 : i32
      %dma_start3A_260 = arith.constant 0 : i32
      %dma_start3A_261 = tpu.memref_slice %arg2[%dma_start3A_259, %dma_start3A_260] : memref<64x100000xi32, #tpu.memory_space<hbm>> -> memref<1x100000xi32, #tpu.memory_space<hbm>>
      %dma_start3A_262 = tpu.memref_squeeze %dma_start3A_261 : memref<1x100000xi32, #tpu.memory_space<hbm>> -> memref<100000xi32, #tpu.memory_space<hbm>>
      %dma_start3A_263 = arith.constant 0 : i32
      %dma_start3A_264 = tpu.memref_slice %arg2[%dma_start3A_259, %dma_start3A_263] : memref<64x100000xi32, #tpu.memory_space<hbm>> -> memref<1x100000xi32, #tpu.memory_space<hbm>>
      %dma_start3A_265 = tpu.memref_squeeze %dma_start3A_264 : memref<1x100000xi32, #tpu.memory_space<hbm>> -> memref<100000xi32, #tpu.memory_space<hbm>>
      tpu.enqueue_dma source(%dma_start3A_265 : memref<100000xi32, #tpu.memory_space<hbm>>) target(%arg5 : memref<100000xi32, #tpu.memory_space<vmem>>) target_semaphore(%arg9 : memref<!tpu.dma_semaphore, #tpu.memory_space<semaphore_mem>>)
    } else {
    }
    %eq3A_103 = arith.constant 21 : i32
    %eq3A_104 = arith.cmpi eq, %add3A, %eq3A_103 : i32
    %convert_element_type3A_105 = arith.extui %eq3A_104 : i1 to i32
    %cond3A_106 = arith.constant 0 : i32
    %cond3A_107 = arith.cmpi ne, %convert_element_type3A_105, %cond3A_106 : i32
    scf.if %cond3A_107 {
      %dma_start3A_259 = arith.constant 22 : i32
      %dma_start3A_260 = arith.constant 0 : i32
      %dma_start3A_261 = tpu.memref_slice %arg2[%dma_start3A_259, %dma_start3A_260] : memref<64x100000xi32, #tpu.memory_space<hbm>> -> memref<1x100000xi32, #tpu.memory_space<hbm>>
      %dma_start3A_262 = tpu.memref_squeeze %dma_start3A_261 : memref<1x100000xi32, #tpu.memory_space<hbm>> -> memref<100000xi32, #tpu.memory_space<hbm>>
      %dma_start3A_263 = arith.constant 0 : i32
      %dma_start3A_264 = tpu.memref_slice %arg2[%dma_start3A_259, %dma_start3A_263] : memref<64x100000xi32, #tpu.memory_space<hbm>> -> memref<1x100000xi32, #tpu.memory_space<hbm>>
      %dma_start3A_265 = tpu.memref_squeeze %dma_start3A_264 : memref<1x100000xi32, #tpu.memory_space<hbm>> -> memref<100000xi32, #tpu.memory_space<hbm>>
      tpu.enqueue_dma source(%dma_start3A_265 : memref<100000xi32, #tpu.memory_space<hbm>>) target(%arg5 : memref<100000xi32, #tpu.memory_space<vmem>>) target_semaphore(%arg9 : memref<!tpu.dma_semaphore, #tpu.memory_space<semaphore_mem>>)
    } else {
    }
    %eq3A_108 = arith.constant 22 : i32
    %eq3A_109 = arith.cmpi eq, %add3A, %eq3A_108 : i32
    %convert_element_type3A_110 = arith.extui %eq3A_109 : i1 to i32
    %cond3A_111 = arith.constant 0 : i32
    %cond3A_112 = arith.cmpi ne, %convert_element_type3A_110, %cond3A_111 : i32
    scf.if %cond3A_112 {
      %dma_start3A_259 = arith.constant 6 : i32
      %dma_start3A_260 = arith.constant 0 : i32
      %dma_start3A_261 = tpu.memref_slice %arg2[%dma_start3A_259, %dma_start3A_260] : memref<64x100000xi32, #tpu.memory_space<hbm>> -> memref<1x100000xi32, #tpu.memory_space<hbm>>
      %dma_start3A_262 = tpu.memref_squeeze %dma_start3A_261 : memref<1x100000xi32, #tpu.memory_space<hbm>> -> memref<100000xi32, #tpu.memory_space<hbm>>
      %dma_start3A_263 = arith.constant 0 : i32
      %dma_start3A_264 = tpu.memref_slice %arg2[%dma_start3A_259, %dma_start3A_263] : memref<64x100000xi32, #tpu.memory_space<hbm>> -> memref<1x100000xi32, #tpu.memory_space<hbm>>
      %dma_start3A_265 = tpu.memref_squeeze %dma_start3A_264 : memref<1x100000xi32, #tpu.memory_space<hbm>> -> memref<100000xi32, #tpu.memory_space<hbm>>
      tpu.enqueue_dma source(%dma_start3A_265 : memref<100000xi32, #tpu.memory_space<hbm>>) target(%arg5 : memref<100000xi32, #tpu.memory_space<vmem>>) target_semaphore(%arg9 : memref<!tpu.dma_semaphore, #tpu.memory_space<semaphore_mem>>)
    } else {
    }
    %eq3A_113 = arith.constant 23 : i32
    %eq3A_114 = arith.cmpi eq, %add3A, %eq3A_113 : i32
    %convert_element_type3A_115 = arith.extui %eq3A_114 : i1 to i32
    %cond3A_116 = arith.constant 0 : i32
    %cond3A_117 = arith.cmpi ne, %convert_element_type3A_115, %cond3A_116 : i32
    scf.if %cond3A_117 {
      %dma_start3A_259 = arith.constant 54 : i32
      %dma_start3A_260 = arith.constant 0 : i32
      %dma_start3A_261 = tpu.memref_slice %arg2[%dma_start3A_259, %dma_start3A_260] : memref<64x100000xi32, #tpu.memory_space<hbm>> -> memref<1x100000xi32, #tpu.memory_space<hbm>>
      %dma_start3A_262 = tpu.memref_squeeze %dma_start3A_261 : memref<1x100000xi32, #tpu.memory_space<hbm>> -> memref<100000xi32, #tpu.memory_space<hbm>>
      %dma_start3A_263 = arith.constant 0 : i32
      %dma_start3A_264 = tpu.memref_slice %arg2[%dma_start3A_259, %dma_start3A_263] : memref<64x100000xi32, #tpu.memory_space<hbm>> -> memref<1x100000xi32, #tpu.memory_space<hbm>>
      %dma_start3A_265 = tpu.memref_squeeze %dma_start3A_264 : memref<1x100000xi32, #tpu.memory_space<hbm>> -> memref<100000xi32, #tpu.memory_space<hbm>>
      tpu.enqueue_dma source(%dma_start3A_265 : memref<100000xi32, #tpu.memory_space<hbm>>) target(%arg5 : memref<100000xi32, #tpu.memory_space<vmem>>) target_semaphore(%arg9 : memref<!tpu.dma_semaphore, #tpu.memory_space<semaphore_mem>>)
    } else {
    }
    %eq3A_118 = arith.constant 24 : i32
    %eq3A_119 = arith.cmpi eq, %add3A, %eq3A_118 : i32
    %convert_element_type3A_120 = arith.extui %eq3A_119 : i1 to i32
    %cond3A_121 = arith.constant 0 : i32
    %cond3A_122 = arith.cmpi ne, %convert_element_type3A_120, %cond3A_121 : i32
    scf.if %cond3A_122 {
      %dma_start3A_259 = arith.constant 18 : i32
      %dma_start3A_260 = arith.constant 0 : i32
      %dma_start3A_261 = tpu.memref_slice %arg2[%dma_start3A_259, %dma_start3A_260] : memref<64x100000xi32, #tpu.memory_space<hbm>> -> memref<1x100000xi32, #tpu.memory_space<hbm>>
      %dma_start3A_262 = tpu.memref_squeeze %dma_start3A_261 : memref<1x100000xi32, #tpu.memory_space<hbm>> -> memref<100000xi32, #tpu.memory_space<hbm>>
      %dma_start3A_263 = arith.constant 0 : i32
      %dma_start3A_264 = tpu.memref_slice %arg2[%dma_start3A_259, %dma_start3A_263] : memref<64x100000xi32, #tpu.memory_space<hbm>> -> memref<1x100000xi32, #tpu.memory_space<hbm>>
      %dma_start3A_265 = tpu.memref_squeeze %dma_start3A_264 : memref<1x100000xi32, #tpu.memory_space<hbm>> -> memref<100000xi32, #tpu.memory_space<hbm>>
      tpu.enqueue_dma source(%dma_start3A_265 : memref<100000xi32, #tpu.memory_space<hbm>>) target(%arg5 : memref<100000xi32, #tpu.memory_space<vmem>>) target_semaphore(%arg9 : memref<!tpu.dma_semaphore, #tpu.memory_space<semaphore_mem>>)
    } else {
    }
    %eq3A_123 = arith.constant 25 : i32
    %eq3A_124 = arith.cmpi eq, %add3A, %eq3A_123 : i32
    %convert_element_type3A_125 = arith.extui %eq3A_124 : i1 to i32
    %cond3A_126 = arith.constant 0 : i32
    %cond3A_127 = arith.cmpi ne, %convert_element_type3A_125, %cond3A_126 : i32
    scf.if %cond3A_127 {
      %dma_start3A_259 = arith.constant 10 : i32
      %dma_start3A_260 = arith.constant 0 : i32
      %dma_start3A_261 = tpu.memref_slice %arg2[%dma_start3A_259, %dma_start3A_260] : memref<64x100000xi32, #tpu.memory_space<hbm>> -> memref<1x100000xi32, #tpu.memory_space<hbm>>
      %dma_start3A_262 = tpu.memref_squeeze %dma_start3A_261 : memref<1x100000xi32, #tpu.memory_space<hbm>> -> memref<100000xi32, #tpu.memory_space<hbm>>
      %dma_start3A_263 = arith.constant 0 : i32
      %dma_start3A_264 = tpu.memref_slice %arg2[%dma_start3A_259, %dma_start3A_263] : memref<64x100000xi32, #tpu.memory_space<hbm>> -> memref<1x100000xi32, #tpu.memory_space<hbm>>
      %dma_start3A_265 = tpu.memref_squeeze %dma_start3A_264 : memref<1x100000xi32, #tpu.memory_space<hbm>> -> memref<100000xi32, #tpu.memory_space<hbm>>
      tpu.enqueue_dma source(%dma_start3A_265 : memref<100000xi32, #tpu.memory_space<hbm>>) target(%arg5 : memref<100000xi32, #tpu.memory_space<vmem>>) target_semaphore(%arg9 : memref<!tpu.dma_semaphore, #tpu.memory_space<semaphore_mem>>)
    } else {
    }
    %eq3A_128 = arith.constant 26 : i32
    %eq3A_129 = arith.cmpi eq, %add3A, %eq3A_128 : i32
    %convert_element_type3A_130 = arith.extui %eq3A_129 : i1 to i32
    %cond3A_131 = arith.constant 0 : i32
    %cond3A_132 = arith.cmpi ne, %convert_element_type3A_130, %cond3A_131 : i32
    scf.if %cond3A_132 {
      %dma_start3A_259 = arith.constant 11 : i32
      %dma_start3A_260 = arith.constant 0 : i32
      %dma_start3A_261 = tpu.memref_slice %arg2[%dma_start3A_259, %dma_start3A_260] : memref<64x100000xi32, #tpu.memory_space<hbm>> -> memref<1x100000xi32, #tpu.memory_space<hbm>>
      %dma_start3A_262 = tpu.memref_squeeze %dma_start3A_261 : memref<1x100000xi32, #tpu.memory_space<hbm>> -> memref<100000xi32, #tpu.memory_space<hbm>>
      %dma_start3A_263 = arith.constant 0 : i32
      %dma_start3A_264 = tpu.memref_slice %arg2[%dma_start3A_259, %dma_start3A_263] : memref<64x100000xi32, #tpu.memory_space<hbm>> -> memref<1x100000xi32, #tpu.memory_space<hbm>>
      %dma_start3A_265 = tpu.memref_squeeze %dma_start3A_264 : memref<1x100000xi32, #tpu.memory_space<hbm>> -> memref<100000xi32, #tpu.memory_space<hbm>>
      tpu.enqueue_dma source(%dma_start3A_265 : memref<100000xi32, #tpu.memory_space<hbm>>) target(%arg5 : memref<100000xi32, #tpu.memory_space<vmem>>) target_semaphore(%arg9 : memref<!tpu.dma_semaphore, #tpu.memory_space<semaphore_mem>>)
    } else {
    }
    %eq3A_133 = arith.constant 27 : i32
    %eq3A_134 = arith.cmpi eq, %add3A, %eq3A_133 : i32
    %convert_element_type3A_135 = arith.extui %eq3A_134 : i1 to i32
    %cond3A_136 = arith.constant 0 : i32
    %cond3A_137 = arith.cmpi ne, %convert_element_type3A_135, %cond3A_136 : i32
    scf.if %cond3A_137 {
      %dma_start3A_259 = arith.constant 53 : i32
      %dma_start3A_260 = arith.constant 0 : i32
      %dma_start3A_261 = tpu.memref_slice %arg2[%dma_start3A_259, %dma_start3A_260] : memref<64x100000xi32, #tpu.memory_space<hbm>> -> memref<1x100000xi32, #tpu.memory_space<hbm>>
      %dma_start3A_262 = tpu.memref_squeeze %dma_start3A_261 : memref<1x100000xi32, #tpu.memory_space<hbm>> -> memref<100000xi32, #tpu.memory_space<hbm>>
      %dma_start3A_263 = arith.constant 0 : i32
      %dma_start3A_264 = tpu.memref_slice %arg2[%dma_start3A_259, %dma_start3A_263] : memref<64x100000xi32, #tpu.memory_space<hbm>> -> memref<1x100000xi32, #tpu.memory_space<hbm>>
      %dma_start3A_265 = tpu.memref_squeeze %dma_start3A_264 : memref<1x100000xi32, #tpu.memory_space<hbm>> -> memref<100000xi32, #tpu.memory_space<hbm>>
      tpu.enqueue_dma source(%dma_start3A_265 : memref<100000xi32, #tpu.memory_space<hbm>>) target(%arg5 : memref<100000xi32, #tpu.memory_space<vmem>>) target_semaphore(%arg9 : memref<!tpu.dma_semaphore, #tpu.memory_space<semaphore_mem>>)
    } else {
    }
    %eq3A_138 = arith.constant 28 : i32
    %eq3A_139 = arith.cmpi eq, %add3A, %eq3A_138 : i32
    %convert_element_type3A_140 = arith.extui %eq3A_139 : i1 to i32
    %cond3A_141 = arith.constant 0 : i32
    %cond3A_142 = arith.cmpi ne, %convert_element_type3A_140, %cond3A_141 : i32
    scf.if %cond3A_142 {
      %dma_start3A_259 = arith.constant 32 : i32
      %dma_start3A_260 = arith.constant 0 : i32
      %dma_start3A_261 = tpu.memref_slice %arg2[%dma_start3A_259, %dma_start3A_260] : memref<64x100000xi32, #tpu.memory_space<hbm>> -> memref<1x100000xi32, #tpu.memory_space<hbm>>
      %dma_start3A_262 = tpu.memref_squeeze %dma_start3A_261 : memref<1x100000xi32, #tpu.memory_space<hbm>> -> memref<100000xi32, #tpu.memory_space<hbm>>
      %dma_start3A_263 = arith.constant 0 : i32
      %dma_start3A_264 = tpu.memref_slice %arg2[%dma_start3A_259, %dma_start3A_263] : memref<64x100000xi32, #tpu.memory_space<hbm>> -> memref<1x100000xi32, #tpu.memory_space<hbm>>
      %dma_start3A_265 = tpu.memref_squeeze %dma_start3A_264 : memref<1x100000xi32, #tpu.memory_space<hbm>> -> memref<100000xi32, #tpu.memory_space<hbm>>
      tpu.enqueue_dma source(%dma_start3A_265 : memref<100000xi32, #tpu.memory_space<hbm>>) target(%arg5 : memref<100000xi32, #tpu.memory_space<vmem>>) target_semaphore(%arg9 : memref<!tpu.dma_semaphore, #tpu.memory_space<semaphore_mem>>)
    } else {
    }
    %eq3A_143 = arith.constant 29 : i32
    %eq3A_144 = arith.cmpi eq, %add3A, %eq3A_143 : i32
    %convert_element_type3A_145 = arith.extui %eq3A_144 : i1 to i32
    %cond3A_146 = arith.constant 0 : i32
    %cond3A_147 = arith.cmpi ne, %convert_element_type3A_145, %cond3A_146 : i32
    scf.if %cond3A_147 {
      %dma_start3A_259 = arith.constant 15 : i32
      %dma_start3A_260 = arith.constant 0 : i32
      %dma_start3A_261 = tpu.memref_slice %arg2[%dma_start3A_259, %dma_start3A_260] : memref<64x100000xi32, #tpu.memory_space<hbm>> -> memref<1x100000xi32, #tpu.memory_space<hbm>>
      %dma_start3A_262 = tpu.memref_squeeze %dma_start3A_261 : memref<1x100000xi32, #tpu.memory_space<hbm>> -> memref<100000xi32, #tpu.memory_space<hbm>>
      %dma_start3A_263 = arith.constant 0 : i32
      %dma_start3A_264 = tpu.memref_slice %arg2[%dma_start3A_259, %dma_start3A_263] : memref<64x100000xi32, #tpu.memory_space<hbm>> -> memref<1x100000xi32, #tpu.memory_space<hbm>>
      %dma_start3A_265 = tpu.memref_squeeze %dma_start3A_264 : memref<1x100000xi32, #tpu.memory_space<hbm>> -> memref<100000xi32, #tpu.memory_space<hbm>>
      tpu.enqueue_dma source(%dma_start3A_265 : memref<100000xi32, #tpu.memory_space<hbm>>) target(%arg5 : memref<100000xi32, #tpu.memory_space<vmem>>) target_semaphore(%arg9 : memref<!tpu.dma_semaphore, #tpu.memory_space<semaphore_mem>>)
    } else {
    }
    %eq3A_148 = arith.constant 30 : i32
    %eq3A_149 = arith.cmpi eq, %add3A, %eq3A_148 : i32
    %convert_element_type3A_150 = arith.extui %eq3A_149 : i1 to i32
    %cond3A_151 = arith.constant 0 : i32
    %cond3A_152 = arith.cmpi ne, %convert_element_type3A_150, %cond3A_151 : i32
    scf.if %cond3A_152 {
      %dma_start3A_259 = arith.constant 49 : i32
      %dma_start3A_260 = arith.constant 0 : i32
      %dma_start3A_261 = tpu.memref_slice %arg2[%dma_start3A_259, %dma_start3A_260] : memref<64x100000xi32, #tpu.memory_space<hbm>> -> memref<1x100000xi32, #tpu.memory_space<hbm>>
      %dma_start3A_262 = tpu.memref_squeeze %dma_start3A_261 : memref<1x100000xi32, #tpu.memory_space<hbm>> -> memref<100000xi32, #tpu.memory_space<hbm>>
      %dma_start3A_263 = arith.constant 0 : i32
      %dma_start3A_264 = tpu.memref_slice %arg2[%dma_start3A_259, %dma_start3A_263] : memref<64x100000xi32, #tpu.memory_space<hbm>> -> memref<1x100000xi32, #tpu.memory_space<hbm>>
      %dma_start3A_265 = tpu.memref_squeeze %dma_start3A_264 : memref<1x100000xi32, #tpu.memory_space<hbm>> -> memref<100000xi32, #tpu.memory_space<hbm>>
      tpu.enqueue_dma source(%dma_start3A_265 : memref<100000xi32, #tpu.memory_space<hbm>>) target(%arg5 : memref<100000xi32, #tpu.memory_space<vmem>>) target_semaphore(%arg9 : memref<!tpu.dma_semaphore, #tpu.memory_space<semaphore_mem>>)
    } else {
    }
    %eq3A_153 = arith.constant 31 : i32
    %eq3A_154 = arith.cmpi eq, %add3A, %eq3A_153 : i32
    %convert_element_type3A_155 = arith.extui %eq3A_154 : i1 to i32
    %cond3A_156 = arith.constant 0 : i32
    %cond3A_157 = arith.cmpi ne, %convert_element_type3A_155, %cond3A_156 : i32
    scf.if %cond3A_157 {
      %dma_start3A_259 = arith.constant 50 : i32
      %dma_start3A_260 = arith.constant 0 : i32
      %dma_start3A_261 = tpu.memref_slice %arg2[%dma_start3A_259, %dma_start3A_260] : memref<64x100000xi32, #tpu.memory_space<hbm>> -> memref<1x100000xi32, #tpu.memory_space<hbm>>
      %dma_start3A_262 = tpu.memref_squeeze %dma_start3A_261 : memref<1x100000xi32, #tpu.memory_space<hbm>> -> memref<100000xi32, #tpu.memory_space<hbm>>
      %dma_start3A_263 = arith.constant 0 : i32
      %dma_start3A_264 = tpu.memref_slice %arg2[%dma_start3A_259, %dma_start3A_263] : memref<64x100000xi32, #tpu.memory_space<hbm>> -> memref<1x100000xi32, #tpu.memory_space<hbm>>
      %dma_start3A_265 = tpu.memref_squeeze %dma_start3A_264 : memref<1x100000xi32, #tpu.memory_space<hbm>> -> memref<100000xi32, #tpu.memory_space<hbm>>
      tpu.enqueue_dma source(%dma_start3A_265 : memref<100000xi32, #tpu.memory_space<hbm>>) target(%arg5 : memref<100000xi32, #tpu.memory_space<vmem>>) target_semaphore(%arg9 : memref<!tpu.dma_semaphore, #tpu.memory_space<semaphore_mem>>)
    } else {
    }
    %eq3A_158 = arith.constant 0 : i32
    %eq3A_159 = arith.cmpi eq, %arg1, %eq3A_158 : i32
    %convert_element_type3A_160 = arith.extui %eq3A_159 : i1 to i32
    %cond3A_161 = arith.constant 0 : i32
    %cond3A_162 = arith.cmpi ne, %convert_element_type3A_160, %cond3A_161 : i32
    scf.if %cond3A_162 {
      "tpu.region"() ({
        %run_scoped3A = tpu.sem_alloc : memref<!tpu.dma_semaphore, #tpu.memory_space<semaphore_mem>>
        tpu.enqueue_dma source(%arg3 : memref<16384xi32, #tpu.memory_space<hbm>>) target(%arg8 : memref<16384xi32, #tpu.memory_space<vmem_shared>>) target_semaphore(%run_scoped3A : memref<!tpu.dma_semaphore, #tpu.memory_space<semaphore_mem>>)
        tpu.wait_dma2 semaphore(%run_scoped3A : memref<!tpu.dma_semaphore, #tpu.memory_space<semaphore_mem>>) src(%arg3 : memref<16384xi32, #tpu.memory_space<hbm>>) dst(%arg8 : memref<16384xi32, #tpu.memory_space<vmem_shared>>)
        tpu.yield
      }) : () -> ()
    } else {
    }
    %barrier3A = arith.constant 0 : index
    tpu.barrier barrier_id(%barrier3A)
    "tpu.region"() ({
      %run_scoped3A = tpu.sem_alloc : memref<!tpu.dma_semaphore, #tpu.memory_space<semaphore_mem>>
      tpu.enqueue_dma source(%arg8 : memref<16384xi32, #tpu.memory_space<vmem_shared>>) target(%arg6 : memref<16384xi32, #tpu.memory_space<vmem>>) target_semaphore(%run_scoped3A : memref<!tpu.dma_semaphore, #tpu.memory_space<semaphore_mem>>)
      tpu.wait_dma2 semaphore(%run_scoped3A : memref<!tpu.dma_semaphore, #tpu.memory_space<semaphore_mem>>) src(%arg8 : memref<16384xi32, #tpu.memory_space<vmem_shared>>) dst(%arg6 : memref<16384xi32, #tpu.memory_space<vmem>>)
      tpu.yield
    }) : () -> ()
    %dma_wait3A = arith.constant 0 : i32
    %dma_wait3A_163 = arith.constant 0 : i32
    %dma_wait3A_164 = tpu.memref_slice %arg2[%dma_wait3A, %dma_wait3A_163] : memref<64x100000xi32, #tpu.memory_space<hbm>> -> memref<1x100000xi32, #tpu.memory_space<hbm>>
    %dma_wait3A_165 = tpu.memref_squeeze %dma_wait3A_164 : memref<1x100000xi32, #tpu.memory_space<hbm>> -> memref<100000xi32, #tpu.memory_space<hbm>>
    %dma_wait3A_166 = arith.constant 0 : i32
    %dma_wait3A_167 = tpu.memref_slice %arg2[%dma_wait3A, %dma_wait3A_166] : memref<64x100000xi32, #tpu.memory_space<hbm>> -> memref<1x100000xi32, #tpu.memory_space<hbm>>
    %dma_wait3A_168 = tpu.memref_squeeze %dma_wait3A_167 : memref<1x100000xi32, #tpu.memory_space<hbm>> -> memref<100000xi32, #tpu.memory_space<hbm>>
    tpu.wait_dma2 semaphore(%arg9 : memref<!tpu.dma_semaphore, #tpu.memory_space<semaphore_mem>>) src(%dma_wait3A_168 : memref<100000xi32, #tpu.memory_space<hbm>>) dst(%arg5 : memref<100000xi32, #tpu.memory_space<vmem>>)
    %parallel_loop3A = arith.constant 0 : i32
    %parallel_loop3A_169 = arith.constant 256 : i32
    %parallel_loop3A_170 = arith.constant 1 : i32
    scf.for %parallel_loop3A_259 = %parallel_loop3A to %parallel_loop3A_169 step %parallel_loop3A_170  : i32 {
      %parallel_loop3A_260 = arith.constant 16 : i32
      %parallel_loop3A_261 = arith.muli %parallel_loop3A_259, %parallel_loop3A_260 : i32
      %parallel_loop3A_262 = arith.constant 0 : i32
      %parallel_loop3A_263 = arith.addi %parallel_loop3A_262, %parallel_loop3A_261 : i32
      %parallel_loop3A_264 = arith.index_cast %parallel_loop3A_263 : i32 to index
      %parallel_loop3A_265 = tpu.vector_load %arg6[%parallel_loop3A_264] {strides = array<i32>} : memref<16384xi32, #tpu.memory_space<vmem>>, vector<16xi32>,
      %parallel_loop3A_266 = tpu.vector_load_idx %arg5[%parallel_loop3A_265] : memref<100000xi32, #tpu.memory_space<vmem>>[vector<16xi32>], vector<16xi32>,
      %parallel_loop3A_267 = arith.constant 16 : i32
      %parallel_loop3A_268 = arith.muli %parallel_loop3A_259, %parallel_loop3A_267 : i32
      %parallel_loop3A_269 = arith.constant 0 : i32
      %parallel_loop3A_270 = arith.addi %parallel_loop3A_269, %parallel_loop3A_268 : i32
      %parallel_loop3A_271 = arith.index_cast %parallel_loop3A_270 : i32 to index
      %parallel_loop3A_272 = tpu.vector_load %arg7[%parallel_loop3A_271] {strides = array<i32>} : memref<12288xi32, #tpu.memory_space<vmem>>, vector<16xi32>,
      tpu.vector_store %arg7[%parallel_loop3A_271], %parallel_loop3A_266 {strides = array<i32>} : memref<12288xi32, #tpu.memory_space<vmem>>, vector<16xi32>,
    } {sc.loop_unroll_factor = 8 : i64, sc.parallel_access}
    %dma_start3A = arith.constant 0 : i32
    %dma_start3A_171 = tpu.memref_slice %arg7[%dma_start3A] : memref<12288xi32, #tpu.memory_space<vmem>> -> memref<4096xi32, #tpu.memory_space<vmem>>
    %dma_start3A_172 = arith.constant 0 : i32
    %dma_start3A_173 = tpu.memref_slice %arg4[%add3A, %dma_start3A_172] : memref<32x16384xi32, #tpu.memory_space<hbm>> -> memref<1x4096xi32, #tpu.memory_space<hbm>>
    %dma_start3A_174 = tpu.memref_squeeze %dma_start3A_173 : memref<1x4096xi32, #tpu.memory_space<hbm>> -> memref<4096xi32, #tpu.memory_space<hbm>>
    %dma_start3A_175 = arith.constant 0 : i32
    %dma_start3A_176 = tpu.memref_slice %arg4[%add3A, %dma_start3A_175] : memref<32x16384xi32, #tpu.memory_space<hbm>> -> memref<1x4096xi32, #tpu.memory_space<hbm>>
    %dma_start3A_177 = tpu.memref_squeeze %dma_start3A_176 : memref<1x4096xi32, #tpu.memory_space<hbm>> -> memref<4096xi32, #tpu.memory_space<hbm>>
    %dma_start3A_178 = arith.constant 0 : i32
    %dma_start3A_179 = tpu.memref_slice %arg7[%dma_start3A_178] : memref<12288xi32, #tpu.memory_space<vmem>> -> memref<4096xi32, #tpu.memory_space<vmem>>
    tpu.enqueue_dma source(%dma_start3A_179 : memref<4096xi32, #tpu.memory_space<vmem>>) target(%dma_start3A_177 : memref<4096xi32, #tpu.memory_space<hbm>>) target_semaphore(%arg10 : memref<!tpu.dma_semaphore, #tpu.memory_space<semaphore_mem>>)
    %parallel_loop3A_180 = arith.constant 0 : i32
    %parallel_loop3A_181 = arith.constant 256 : i32
    %parallel_loop3A_182 = arith.constant 1 : i32
    scf.for %parallel_loop3A_259 = %parallel_loop3A_180 to %parallel_loop3A_181 step %parallel_loop3A_182  : i32 {
      %parallel_loop3A_260 = arith.constant 16 : i32
      %parallel_loop3A_261 = arith.muli %parallel_loop3A_259, %parallel_loop3A_260 : i32
      %parallel_loop3A_262 = arith.constant 4096 : i32
      %parallel_loop3A_263 = arith.addi %parallel_loop3A_262, %parallel_loop3A_261 : i32
      %parallel_loop3A_264 = arith.index_cast %parallel_loop3A_263 : i32 to index
      %parallel_loop3A_265 = tpu.vector_load %arg6[%parallel_loop3A_264] {strides = array<i32>} : memref<16384xi32, #tpu.memory_space<vmem>>, vector<16xi32>,
      %parallel_loop3A_266 = tpu.vector_load_idx %arg5[%parallel_loop3A_265] : memref<100000xi32, #tpu.memory_space<vmem>>[vector<16xi32>], vector<16xi32>,
      %parallel_loop3A_267 = arith.constant 16 : i32
      %parallel_loop3A_268 = arith.muli %parallel_loop3A_259, %parallel_loop3A_267 : i32
      %parallel_loop3A_269 = arith.constant 4096 : i32
      %parallel_loop3A_270 = arith.addi %parallel_loop3A_269, %parallel_loop3A_268 : i32
      %parallel_loop3A_271 = arith.index_cast %parallel_loop3A_270 : i32 to index
      %parallel_loop3A_272 = tpu.vector_load %arg7[%parallel_loop3A_271] {strides = array<i32>} : memref<12288xi32, #tpu.memory_space<vmem>>, vector<16xi32>,
      tpu.vector_store %arg7[%parallel_loop3A_271], %parallel_loop3A_266 {strides = array<i32>} : memref<12288xi32, #tpu.memory_space<vmem>>, vector<16xi32>,
    } {sc.loop_unroll_factor = 8 : i64, sc.parallel_access}
    %dma_start3A_183 = arith.constant 4096 : i32
    %dma_start3A_184 = tpu.memref_slice %arg7[%dma_start3A_183] : memref<12288xi32, #tpu.memory_space<vmem>> -> memref<4096xi32, #tpu.memory_space<vmem>>
    %dma_start3A_185 = arith.constant 4096 : i32
    %dma_start3A_186 = tpu.memref_slice %arg4[%add3A, %dma_start3A_185] : memref<32x16384xi32, #tpu.memory_space<hbm>> -> memref<1x4096xi32, #tpu.memory_space<hbm>>
    %dma_start3A_187 = tpu.memref_squeeze %dma_start3A_186 : memref<1x4096xi32, #tpu.memory_space<hbm>> -> memref<4096xi32, #tpu.memory_space<hbm>>
    %dma_start3A_188 = arith.constant 4096 : i32
    %dma_start3A_189 = tpu.memref_slice %arg4[%add3A, %dma_start3A_188] : memref<32x16384xi32, #tpu.memory_space<hbm>> -> memref<1x4096xi32, #tpu.memory_space<hbm>>
    %dma_start3A_190 = tpu.memref_squeeze %dma_start3A_189 : memref<1x4096xi32, #tpu.memory_space<hbm>> -> memref<4096xi32, #tpu.memory_space<hbm>>
    %dma_start3A_191 = arith.constant 4096 : i32
    %dma_start3A_192 = tpu.memref_slice %arg7[%dma_start3A_191] : memref<12288xi32, #tpu.memory_space<vmem>> -> memref<4096xi32, #tpu.memory_space<vmem>>
    tpu.enqueue_dma source(%dma_start3A_192 : memref<4096xi32, #tpu.memory_space<vmem>>) target(%dma_start3A_190 : memref<4096xi32, #tpu.memory_space<hbm>>) target_semaphore(%arg10 : memref<!tpu.dma_semaphore, #tpu.memory_space<semaphore_mem>>)
    %parallel_loop3A_193 = arith.constant 0 : i32
    %parallel_loop3A_194 = arith.constant 256 : i32
    %parallel_loop3A_195 = arith.constant 1 : i32
    scf.for %parallel_loop3A_259 = %parallel_loop3A_193 to %parallel_loop3A_194 step %parallel_loop3A_195  : i32 {
      %parallel_loop3A_260 = arith.constant 16 : i32
      %parallel_loop3A_261 = arith.muli %parallel_loop3A_259, %parallel_loop3A_260 : i32
      %parallel_loop3A_262 = arith.constant 8192 : i32
      %parallel_loop3A_263 = arith.addi %parallel_loop3A_262, %parallel_loop3A_261 : i32
      %parallel_loop3A_264 = arith.index_cast %parallel_loop3A_263 : i32 to index
      %parallel_loop3A_265 = tpu.vector_load %arg6[%parallel_loop3A_264] {strides = array<i32>} : memref<16384xi32, #tpu.memory_space<vmem>>, vector<16xi32>,
      %parallel_loop3A_266 = tpu.vector_load_idx %arg5[%parallel_loop3A_265] : memref<100000xi32, #tpu.memory_space<vmem>>[vector<16xi32>], vector<16xi32>,
      %parallel_loop3A_267 = arith.constant 16 : i32
      %parallel_loop3A_268 = arith.muli %parallel_loop3A_259, %parallel_loop3A_267 : i32
      %parallel_loop3A_269 = arith.constant 8192 : i32
      %parallel_loop3A_270 = arith.addi %parallel_loop3A_269, %parallel_loop3A_268 : i32
      %parallel_loop3A_271 = arith.index_cast %parallel_loop3A_270 : i32 to index
      %parallel_loop3A_272 = tpu.vector_load %arg7[%parallel_loop3A_271] {strides = array<i32>} : memref<12288xi32, #tpu.memory_space<vmem>>, vector<16xi32>,
      tpu.vector_store %arg7[%parallel_loop3A_271], %parallel_loop3A_266 {strides = array<i32>} : memref<12288xi32, #tpu.memory_space<vmem>>, vector<16xi32>,
    } {sc.loop_unroll_factor = 8 : i64, sc.parallel_access}
    %dma_start3A_196 = arith.constant 8192 : i32
    %dma_start3A_197 = tpu.memref_slice %arg7[%dma_start3A_196] : memref<12288xi32, #tpu.memory_space<vmem>> -> memref<4096xi32, #tpu.memory_space<vmem>>
    %dma_start3A_198 = arith.constant 8192 : i32
    %dma_start3A_199 = tpu.memref_slice %arg4[%add3A, %dma_start3A_198] : memref<32x16384xi32, #tpu.memory_space<hbm>> -> memref<1x4096xi32, #tpu.memory_space<hbm>>
    %dma_start3A_200 = tpu.memref_squeeze %dma_start3A_199 : memref<1x4096xi32, #tpu.memory_space<hbm>> -> memref<4096xi32, #tpu.memory_space<hbm>>
    %dma_start3A_201 = arith.constant 8192 : i32
    %dma_start3A_202 = tpu.memref_slice %arg4[%add3A, %dma_start3A_201] : memref<32x16384xi32, #tpu.memory_space<hbm>> -> memref<1x4096xi32, #tpu.memory_space<hbm>>
    %dma_start3A_203 = tpu.memref_squeeze %dma_start3A_202 : memref<1x4096xi32, #tpu.memory_space<hbm>> -> memref<4096xi32, #tpu.memory_space<hbm>>
    %dma_start3A_204 = arith.constant 8192 : i32
    %dma_start3A_205 = tpu.memref_slice %arg7[%dma_start3A_204] : memref<12288xi32, #tpu.memory_space<vmem>> -> memref<4096xi32, #tpu.memory_space<vmem>>
    tpu.enqueue_dma source(%dma_start3A_205 : memref<4096xi32, #tpu.memory_space<vmem>>) target(%dma_start3A_203 : memref<4096xi32, #tpu.memory_space<hbm>>) target_semaphore(%arg10 : memref<!tpu.dma_semaphore, #tpu.memory_space<semaphore_mem>>)
    %dma_wait3A_206 = arith.constant 0 : i32
    %dma_wait3A_207 = tpu.memref_slice %arg7[%dma_wait3A_206] : memref<12288xi32, #tpu.memory_space<vmem>> -> memref<4096xi32, #tpu.memory_space<vmem>>
    %dma_wait3A_208 = arith.constant 0 : i32
    %dma_wait3A_209 = tpu.memref_slice %arg4[%add3A, %dma_wait3A_208] : memref<32x16384xi32, #tpu.memory_space<hbm>> -> memref<1x4096xi32, #tpu.memory_space<hbm>>
    %dma_wait3A_210 = tpu.memref_squeeze %dma_wait3A_209 : memref<1x4096xi32, #tpu.memory_space<hbm>> -> memref<4096xi32, #tpu.memory_space<hbm>>
    %dma_wait3A_211 = arith.constant 0 : i32
    %dma_wait3A_212 = tpu.memref_slice %arg4[%add3A, %dma_wait3A_211] : memref<32x16384xi32, #tpu.memory_space<hbm>> -> memref<1x4096xi32, #tpu.memory_space<hbm>>
    %dma_wait3A_213 = tpu.memref_squeeze %dma_wait3A_212 : memref<1x4096xi32, #tpu.memory_space<hbm>> -> memref<4096xi32, #tpu.memory_space<hbm>>
    %dma_wait3A_214 = arith.constant 0 : i32
    %dma_wait3A_215 = tpu.memref_slice %arg7[%dma_wait3A_214] : memref<12288xi32, #tpu.memory_space<vmem>> -> memref<4096xi32, #tpu.memory_space<vmem>>
    tpu.wait_dma2 semaphore(%arg10 : memref<!tpu.dma_semaphore, #tpu.memory_space<semaphore_mem>>) src(%dma_wait3A_215 : memref<4096xi32, #tpu.memory_space<vmem>>) dst(%dma_wait3A_213 : memref<4096xi32, #tpu.memory_space<hbm>>)
    %parallel_loop3A_216 = arith.constant 0 : i32
    %parallel_loop3A_217 = arith.constant 256 : i32
    %parallel_loop3A_218 = arith.constant 1 : i32
    scf.for %parallel_loop3A_259 = %parallel_loop3A_216 to %parallel_loop3A_217 step %parallel_loop3A_218  : i32 {
      %parallel_loop3A_260 = arith.constant 16 : i32
      %parallel_loop3A_261 = arith.muli %parallel_loop3A_259, %parallel_loop3A_260 : i32
      %parallel_loop3A_262 = arith.constant 12288 : i32
      %parallel_loop3A_263 = arith.addi %parallel_loop3A_262, %parallel_loop3A_261 : i32
      %parallel_loop3A_264 = arith.index_cast %parallel_loop3A_263 : i32 to index
      %parallel_loop3A_265 = tpu.vector_load %arg6[%parallel_loop3A_264] {strides = array<i32>} : memref<16384xi32, #tpu.memory_space<vmem>>, vector<16xi32>,
      %parallel_loop3A_266 = tpu.vector_load_idx %arg5[%parallel_loop3A_265] : memref<100000xi32, #tpu.memory_space<vmem>>[vector<16xi32>], vector<16xi32>,
      %parallel_loop3A_267 = arith.constant 16 : i32
      %parallel_loop3A_268 = arith.muli %parallel_loop3A_259, %parallel_loop3A_267 : i32
      %parallel_loop3A_269 = arith.constant 0 : i32
      %parallel_loop3A_270 = arith.addi %parallel_loop3A_269, %parallel_loop3A_268 : i32
      %parallel_loop3A_271 = arith.index_cast %parallel_loop3A_270 : i32 to index
      %parallel_loop3A_272 = tpu.vector_load %arg7[%parallel_loop3A_271] {strides = array<i32>} : memref<12288xi32, #tpu.memory_space<vmem>>, vector<16xi32>,
      tpu.vector_store %arg7[%parallel_loop3A_271], %parallel_loop3A_266 {strides = array<i32>} : memref<12288xi32, #tpu.memory_space<vmem>>, vector<16xi32>,
    } {sc.loop_unroll_factor = 8 : i64, sc.parallel_access}
    %dma_start3A_219 = arith.constant 0 : i32
    %dma_start3A_220 = tpu.memref_slice %arg7[%dma_start3A_219] : memref<12288xi32, #tpu.memory_space<vmem>> -> memref<4096xi32, #tpu.memory_space<vmem>>
    %dma_start3A_221 = arith.constant 12288 : i32
    %dma_start3A_222 = tpu.memref_slice %arg4[%add3A, %dma_start3A_221] : memref<32x16384xi32, #tpu.memory_space<hbm>> -> memref<1x4096xi32, #tpu.memory_space<hbm>>
    %dma_start3A_223 = tpu.memref_squeeze %dma_start3A_222 : memref<1x4096xi32, #tpu.memory_space<hbm>> -> memref<4096xi32, #tpu.memory_space<hbm>>
    %dma_start3A_224 = arith.constant 12288 : i32
    %dma_start3A_225 = tpu.memref_slice %arg4[%add3A, %dma_start3A_224] : memref<32x16384xi32, #tpu.memory_space<hbm>> -> memref<1x4096xi32, #tpu.memory_space<hbm>>
    %dma_start3A_226 = tpu.memref_squeeze %dma_start3A_225 : memref<1x4096xi32, #tpu.memory_space<hbm>> -> memref<4096xi32, #tpu.memory_space<hbm>>
    %dma_start3A_227 = arith.constant 0 : i32
    %dma_start3A_228 = tpu.memref_slice %arg7[%dma_start3A_227] : memref<12288xi32, #tpu.memory_space<vmem>> -> memref<4096xi32, #tpu.memory_space<vmem>>
    tpu.enqueue_dma source(%dma_start3A_228 : memref<4096xi32, #tpu.memory_space<vmem>>) target(%dma_start3A_226 : memref<4096xi32, #tpu.memory_space<hbm>>) target_semaphore(%arg10 : memref<!tpu.dma_semaphore, #tpu.memory_space<semaphore_mem>>)
    %dma_wait3A_229 = arith.constant 0 : i32
    %dma_wait3A_230 = tpu.memref_slice %arg7[%dma_wait3A_229] : memref<12288xi32, #tpu.memory_space<vmem>> -> memref<4096xi32, #tpu.memory_space<vmem>>
    %dma_wait3A_231 = arith.constant 0 : i32
    %dma_wait3A_232 = tpu.memref_slice %arg4[%add3A, %dma_wait3A_231] : memref<32x16384xi32, #tpu.memory_space<hbm>> -> memref<1x4096xi32, #tpu.memory_space<hbm>>
    %dma_wait3A_233 = tpu.memref_squeeze %dma_wait3A_232 : memref<1x4096xi32, #tpu.memory_space<hbm>> -> memref<4096xi32, #tpu.memory_space<hbm>>
    %dma_wait3A_234 = arith.constant 0 : i32
    %dma_wait3A_235 = tpu.memref_slice %arg4[%add3A, %dma_wait3A_234] : memref<32x16384xi32, #tpu.memory_space<hbm>> -> memref<1x4096xi32, #tpu.memory_space<hbm>>
    %dma_wait3A_236 = tpu.memref_squeeze %dma_wait3A_235 : memref<1x4096xi32, #tpu.memory_space<hbm>> -> memref<4096xi32, #tpu.memory_space<hbm>>
    %dma_wait3A_237 = arith.constant 0 : i32
    %dma_wait3A_238 = tpu.memref_slice %arg7[%dma_wait3A_237] : memref<12288xi32, #tpu.memory_space<vmem>> -> memref<4096xi32, #tpu.memory_space<vmem>>
    tpu.wait_dma2 semaphore(%arg10 : memref<!tpu.dma_semaphore, #tpu.memory_space<semaphore_mem>>) src(%dma_wait3A_238 : memref<4096xi32, #tpu.memory_space<vmem>>) dst(%dma_wait3A_236 : memref<4096xi32, #tpu.memory_space<hbm>>)
    %dma_wait3A_239 = arith.constant 0 : i32
    %dma_wait3A_240 = tpu.memref_slice %arg7[%dma_wait3A_239] : memref<12288xi32, #tpu.memory_space<vmem>> -> memref<4096xi32, #tpu.memory_space<vmem>>
    %dma_wait3A_241 = arith.constant 0 : i32
    %dma_wait3A_242 = tpu.memref_slice %arg4[%add3A, %dma_wait3A_241] : memref<32x16384xi32, #tpu.memory_space<hbm>> -> memref<1x4096xi32, #tpu.memory_space<hbm>>
    %dma_wait3A_243 = tpu.memref_squeeze %dma_wait3A_242 : memref<1x4096xi32, #tpu.memory_space<hbm>> -> memref<4096xi32, #tpu.memory_space<hbm>>
    %dma_wait3A_244 = arith.constant 0 : i32
    %dma_wait3A_245 = tpu.memref_slice %arg4[%add3A, %dma_wait3A_244] : memref<32x16384xi32, #tpu.memory_space<hbm>> -> memref<1x4096xi32, #tpu.memory_space<hbm>>
    %dma_wait3A_246 = tpu.memref_squeeze %dma_wait3A_245 : memref<1x4096xi32, #tpu.memory_space<hbm>> -> memref<4096xi32, #tpu.memory_space<hbm>>
    %dma_wait3A_247 = arith.constant 0 : i32
    %dma_wait3A_248 = tpu.memref_slice %arg7[%dma_wait3A_247] : memref<12288xi32, #tpu.memory_space<vmem>> -> memref<4096xi32, #tpu.memory_space<vmem>>
    tpu.wait_dma2 semaphore(%arg10 : memref<!tpu.dma_semaphore, #tpu.memory_space<semaphore_mem>>) src(%dma_wait3A_248 : memref<4096xi32, #tpu.memory_space<vmem>>) dst(%dma_wait3A_246 : memref<4096xi32, #tpu.memory_space<hbm>>)
    %dma_wait3A_249 = arith.constant 0 : i32
    %dma_wait3A_250 = tpu.memref_slice %arg7[%dma_wait3A_249] : memref<12288xi32, #tpu.memory_space<vmem>> -> memref<4096xi32, #tpu.memory_space<vmem>>
    %dma_wait3A_251 = arith.constant 0 : i32
    %dma_wait3A_252 = tpu.memref_slice %arg4[%add3A, %dma_wait3A_251] : memref<32x16384xi32, #tpu.memory_space<hbm>> -> memref<1x4096xi32, #tpu.memory_space<hbm>>
    %dma_wait3A_253 = tpu.memref_squeeze %dma_wait3A_252 : memref<1x4096xi32, #tpu.memory_space<hbm>> -> memref<4096xi32, #tpu.memory_space<hbm>>
    %dma_wait3A_254 = arith.constant 0 : i32
    %dma_wait3A_255 = tpu.memref_slice %arg4[%add3A, %dma_wait3A_254] : memref<32x16384xi32, #tpu.memory_space<hbm>> -> memref<1x4096xi32, #tpu.memory_space<hbm>>
    %dma_wait3A_256 = tpu.memref_squeeze %dma_wait3A_255 : memref<1x4096xi32, #tpu.memory_space<hbm>> -> memref<4096xi32, #tpu.memory_space<hbm>>
    %dma_wait3A_257 = arith.constant 0 : i32
    %dma_wait3A_258 = tpu.memref_slice %arg7[%dma_wait3A_257] : memref<12288xi32, #tpu.memory_space<vmem>> -> memref<4096xi32, #tpu.memory_space<vmem>>
    tpu.wait_dma2 semaphore(%arg10 : memref<!tpu.dma_semaphore, #tpu.memory_space<semaphore_mem>>) src(%dma_wait3A_258 : memref<4096xi32, #tpu.memory_space<vmem>>) dst(%dma_wait3A_256 : memref<4096xi32, #tpu.memory_space<hbm>>)
    return
  }
}

</mosaic_0001>

<sc_bundles>
// kernel: kernel.3.cloned.1.call-start
scs
__scs_entry_jumppad:
0x0: {  	(pc) =	sbr.rel $0x88, $3  }
0x1: {  	(tag) =	ssettag $0x0;
	lr =	simm.s32 $0x1  }
0x2: {  	[smem:$0x3F9F] =	sst lr;
	_ =	strace $0xD0000000  }
0x3: {  	_ = 	snop  }
0x4: {  	_ = 	snop  }
0x5: {  	_ = 	snop  }
0x6: {  	_ = 	snop  }
0x7: {  	_ = 	snop  }
__scs_overlays_trampoline_lowered:
0x8: {  	[smem:$0x3FAE] =	sst s0  }
0x9: {  	[smem:$0x3FAF] =	sst s1  }
0xa: {  	[smem:$0x3FB0] =	sst s2  }
0xb: {  	[smem:$0x3FB1] =	sst s3  }
0xc: {  	[smem:$0x3FB2] =	sst s4  }
0xd: {  	[smem:$0x3FB3] =	sst s5  }
0xe: {  	[smem:$0x3FB4] =	sst s6  }
0xf: {  	[smem:$0x3FB5] =	sst s7  }
0x10: {  	[smem:$0x3FB6] =	sst s8  }
0x11: {  	[smem:$0x3FB7] =	sst s9;
	s0 =	simm.s32 @!p0 $0x0  }
0x12: {  	s1 =	sld [smem:$0x3F9D];
	s0 =	simm.s32 @p0 $0x1  }
0x13: {  	[smem:$0x3FB8] =	sst s0;
	s0 =	simm.s32 @!p1 $0x0  }
0x14: {  	s2 =	sld [smem:$0x3F9C];
	s0 =	simm.s32 @p1 $0x1  }
0x15: {  	[smem:$0x3FB9] =	sst s0;
	s0 =	simm.s32 @!p2 $0x0  }
0x16: {  	s3 =	sld [smem:$0x3FDB];
	s0 =	simm.s32 @p2 $0x1  }
0x17: {  	s4 =	simm.s32 $0x1BF5;
	[smem:$0x3FBB] =	sst s0  }
0x18: {  	s0 =	sld [smem:$0x3F9E];
	_ =	swait.ge [sflag:s4], $0x0  }
0x19: {  	s7 =	sld [smem:$0x3F9F]  }
0x1a: {  	s8 =	sadd.s32 $0xFFFFE003, lr  }
0x1b: {  	s9 =	sadd.s32 $0xFFFFFEF7, lr;
	s5 =	simm.s32 $0xFFFFFFFF;
	p2 =	slt.u32 s8, $0xFFFFF086  }
0x1c: {  	p1 =	slt.u32 s9, $0xF7A;
	s5 =	simm.s32 @!p2 $0x0  }
0x1d: {  	s5 =	simm.s32 @p1 $0x1;
	p0 =	seq.s32 s7, s2  }
0x1e: {  	s7 =	smul.u32 @!p0 $0xF7A, s2;
	p2 =	seq.s32 @!p0 s5, $0x0  }
0x1f: {  	s9 =	smul.u32 $0xF7A, s1;
	s8 =	simm.s32 @!p0 $0x1BF5;
	p2 =	por !p2, p0  }
0x20: {  	[sflag:s8] =	ssyncset.s32 @!p0 $0xFFFFF086;
	s6 =	sadd.s32 @!p0 s3, s7;
	s7 =	simm.s32 @!p0 $0x108  }
0x21: {  	s3 =	sadd.s32 s3, s9;
	s6 =	sadd.s32 @!p0 $0x88, s6;
	s7 =	simm.s32 @p2 $0x1082  }
0x22: {  	[simem:s7], [sflag:s8] =	dma.local @!p0 [hbm:s6], $0xF7A  }
0x23: {  	s9 =	sor.u32 $0xD0000000, s2;
	s6 =	simm.s32 $0x108;
	_ =	swait.ge @!p0 [sflag:s8], $0x0  }
0x24: {  	s3 =	sadd.s32 $0x88, s3;
	s6 =	simm.s32 @!p1 $0x1082;
	[sflag:s4] =	ssyncset.s32 $0xFFFFF086  }
0x25: {  	[simem:s6], [sflag:s4] =	dma.local [hbm:s3], $0xF7A  }
0x26: {  	[smem:$0x3F9F] =	sst s1;
	(tag) =	ssettag s2;
	_ =	strace s9  }
0x27: {  	s1 =	sld [smem:$0x3FAF]  }
0x28: {  	s2 =	sld [smem:$0x3FB0]  }
0x29: {  	s4 =	sld [smem:$0x3FB2]  }
0x2a: {  	p0 =	seq.s32 s5, $0x0;
	s5 =	sld [smem:$0x3FB3]  }
0x2b: {  	s6 =	sld [smem:$0x3FB4]  }
0x2c: {  	s7 =	sld [smem:$0x3FB5]  }
0x2d: {  	s3 =	simm.s32 $0x108;
	s8 =	sld [smem:$0x3FB6]  }
0x2e: {  	s3 =	simm.s32 @!p0 $0x1082;
	s9 =	sld [smem:$0x3FB7]  }
0x2f: {  	lr =	sadd.s32 s0, s3;
	s0 =	sld [smem:$0x3FAE]  }
0x30: {  	s3 =	sld [smem:$0x3FB1]  }
0x31: {  	[smem:$0x3FBA] =	sst s10  }
0x32: {  	s10 =	sld [smem:$0x3FB8];
	_ =	sdelay $0x3  }
0x33: {  	p0 =	seq.s32 s10, $0x1;
	s10 =	sld [smem:$0x3FBA];
	_ =	sdelay $0x3  }
0x34: {  	[smem:$0x3FBA] =	sst s10  }
0x35: {  	s10 =	sld [smem:$0x3FB9];
	_ =	sdelay $0x3  }
0x36: {  	p1 =	seq.s32 s10, $0x1;
	s10 =	sld [smem:$0x3FBA];
	_ =	sdelay $0x3  }
0x37: {  	[smem:$0x3FBA] =	sst s10  }
0x38: {  	s10 =	sld [smem:$0x3FBB]  }
0x39: {  	_ = 	snop;
	(pc) =	sbr.ind lr, $3  }
0x3a: {  	_ = 	snop  }
0x3b: {  	_ = 	snop  }
0x3c: {  	p2 =	seq.s32 s10, $0x1;
	s10 =	sld [smem:$0x3FBA]  }
0x3d: {  	_ =	shalt  }
0x3e: {  	_ =	shalt  }
0x3f: {  	_ =	shalt  }
0x40: {  	_ =	shalt  }
0x41: {  	_ =	shalt  }
0x42: {  	_ =	shalt  }
0x43: {  	_ =	shalt  }
0x44: {  	_ =	shalt  }
0x45: {  	_ =	shalt  }
0x46: {  	_ =	shalt  }
0x47: {  	_ =	shalt  }
0x48: {  	_ =	shalt  }
0x49: {  	_ =	shalt  }
0x4a: {  	_ =	shalt  }
0x4b: {  	_ =	shalt  }
0x4c: {  	_ =	shalt  }
0x4d: {  	_ =	shalt  }
0x4e: {  	_ =	shalt  }
0x4f: {  	_ =	shalt  }
0x50: {  	_ =	shalt  }
0x51: {  	_ =	shalt  }
0x52: {  	_ =	shalt  }
0x53: {  	_ =	shalt  }
0x54: {  	_ =	shalt  }
0x55: {  	_ =	shalt  }
0x56: {  	_ =	shalt  }
0x57: {  	_ =	shalt  }
0x58: {  	_ =	shalt  }
0x59: {  	_ =	shalt  }
0x5a: {  	_ =	shalt  }
0x5b: {  	_ =	shalt  }
0x5c: {  	_ =	shalt  }
0x5d: {  	_ =	shalt  }
0x5e: {  	_ =	shalt  }
0x5f: {  	_ =	shalt  }
0x60: {  	_ =	shalt  }
0x61: {  	_ =	shalt  }
0x62: {  	_ =	shalt  }
0x63: {  	_ =	shalt  }
0x64: {  	_ =	shalt  }
0x65: {  	_ =	shalt  }
0x66: {  	_ =	shalt  }
0x67: {  	_ =	shalt  }
0x68: {  	_ =	shalt  }
0x69: {  	_ =	shalt  }
0x6a: {  	_ =	shalt  }
0x6b: {  	_ =	shalt  }
0x6c: {  	_ =	shalt  }
0x6d: {  	_ =	shalt  }
0x6e: {  	_ =	shalt  }
0x6f: {  	_ =	shalt  }
0x70: {  	_ =	shalt  }
0x71: {  	_ =	shalt  }
0x72: {  	_ =	shalt  }
0x73: {  	_ =	shalt  }
0x74: {  	_ =	shalt  }
0x75: {  	_ =	shalt  }
0x76: {  	_ =	shalt  }
0x77: {  	_ =	shalt  }
0x78: {  	_ =	shalt  }
0x79: {  	_ =	shalt  }
0x7a: {  	_ =	shalt  }
0x7b: {  	_ =	shalt  }
0x7c: {  	_ =	shalt  }
0x7d: {  	_ =	shalt  }
0x7e: {  	_ =	shalt  }
0x7f: {  	_ =	shalt  }
0x80: {  	_ =	shalt  }
0x81: {  	_ =	shalt  }
0x82: {  	_ =	shalt  }
0x83: {  	_ =	shalt  }
0x84: {  	_ =	shalt  }
0x85: {  	_ =	shalt  }
0x86: {  	_ =	shalt  }
0x87: {  	_ =	shalt  }
.Lfunc_end0:
.L_simem_size_0:
called_computation_lowered:
.L_overlay_start_0:
0x88: {  	s2 =	sld [smem:$0x3FD9]  }
0x89: {  	s3 =	sld [smem:$0x3FFE];
	_ =	sdelay $0x1  }
0x8a: {  	s1 =	srdreg.scid  }
0x8b: {  	s0 =	sand.u32 $0x1, s1  }
0x8c: {  	s18 =	sshll.u32 s0, $0xA;
	s2 =	sadd.s32 s3, s2  }
0x8d: {  	s2 =	sadd.s32 s2, s18  }
0x8e: {  	[smem:$0x3FC6] =	sst s2  }
0x8f: {  	_ = 	snop  }
0x90: {  	s2 =	sld [smem:$0x3FC9]  }
0x91: {  	s19 =	sld [smem:$0x3FC8]  }
0x92: {  	s4 =	sld [smem:$0x3FD0];
	(tm) =	ssettm $0x1  }
0x93: {  	s5 =	sld [smem:$0x3FFB];
	_ =	sdelay $0x3  }
0x94: {  	_ =	strace s5  }
0x95: {  	s5 =	sld [smem:$0x3FFC];
	_ =	sdelay $0x3  }
0x96: {  	_ =	strace s5  }
0x97: {  	s5 =	sld [smem:$0x3FFD];
	_ =	sdelay $0x3  }
0x98: {  	_ =	strace s5  }
0x99: {  	_ =	strace $0x8FFFFFFF  }
0x9a: {  	s20 =	sld [smem:$0x3FDB];
	_ =	sdelay $0x1  }
0x9b: {  	s6 =	simm.s32 $_scs_section_size  }
0x9c: {  	s7 =	simm.s32 $_size__tile_overlayer_lowered;
	s8 =	simm.s32 $_tile_overlayer_lowered  }
0x9d: {  	s23 =	simm.s32 $0x1BFF;
	s22 =	sshll.u32 s8, $0x1;
	s5 =	sadd.s32 s6, s20  }
0x9e: {  	s9 =	simm.s32 $0x0;
	s21 =	sshll.u32 s7, $0x1;
	s7 =	sadd.s32 s22, s5  }
0x9f: {  	[timem:s9], [sflag:s23] =	dma.local [hbm:s7], s21  }
0xa0: {  	_ =	swait.ge [sflag:s23], s21  }
0xa1: {  	s6 =	ssub.s32 $0x0, s21;
	[sflag:s23] =	ssyncset.done $0x0  }
0xa2: {  	[sflag:s23] =	ssyncadd.s32 s6;
	_ =	sdelay $0x1  }
0xa3: {  	s24 =	simm.s32 $0x1B8B  }
0xa4: {  	_ =	swait.ge [sflag:s24], $0x1  }
0xa5: {  	[sflag:s24] =	ssyncset.done $0x0  }
0xa6: {  	s25 =	simm.s32 $0x1B8E;
	[sflag:s24] =	ssyncadd.s32 $0xFFFFFFFF  }
0xa7: {  	s26 =	simm.s32 $execute0_lowered;
	[smem:$0x3FD2] =	sst s25  }
0xa8: {  	s6 =	sshll.u32 s26, $0x1;
	_ =	strace $0x80000046;
	[dreg:$0x1] =	wrdreg $0xFFFFFFFF  }
0xa9: {  	s28 =	simm.s32 $_size_execute0_lowered;
	s5 =	sadd.s32 s5, s6;
	[dreg:$0x0] =	wrdreg $0x0  }
0xaa: {  	s6 =	sshll.u32 s28, $0x1;
	[dreg:$0x2] =	wrdreg s5  }
0xab: {  	[dreg:$0x3] =	wrdreg s6  }
0xac: {  	[dreg:$0x4] =	wrdreg $0xC0  }
0xad: {  	_ =	task [dreg:s9], $0x5FFFF  }
0xae: {  	[dreg:$0x1] =	wrdreg $0xFFFFFFFF  }
0xaf: {  	[dreg:$0x0] =	wrdreg $0x60  }
0xb0: {  	[dreg:$0x2] =	wrdreg s2  }
0xb1: {  	[dreg:$0x3] =	wrdreg s19  }
0xb2: {  	[dreg:$0x4] =	wrdreg s4  }
0xb3: {  	[dreg:$0x5] =	wrdreg $0x1F7000  }
0xb4: {  	[dreg:$0x6] =	wrdreg $0x9  }
0xb5: {  	_ =	task.clear_ibuf [dreg:s9], $0x7FFFF;
	_ =	strace $0x90000046  }
0xb6: {  	s29 =	simm.s32 $0x9;
	_ =	strace $0x80000048  }
0xb7: {  	_ =	swait.ge [sflag:s29], $0x1  }
0xb8: {  	[sflag:s29] =	ssyncadd.s32 $0xFFFFFFFF  }
0xb9: {  	_ =	strace $0x90000048  }
0xba: {  	_ =	sfence  }
0xbb: {  	s30 =	sld [smem:$0x0];
	_ =	sdelay $0x2  }
0xbc: {  	s31 =	sshll.u32 s1, $0xD;
	s1 =	sshrl.u32 s1, $0x2  }
0xbd: {  	s3 =	sand.u32 $0x4000, s31;
	s1 =	sadd.s32 s1, s30  }
0xbe: {  	s0 =	sor.u32 s3, s0;
	s1 =	sshll.u32 s1, $0x11  }
0xbf: {  	s0 =	sor.u32 s1, s0  }
0xc0: {  	s0 =	sadd.s32 $0x8F2B, s0  }
0xc1: {  	[sflag:s0] =	ssyncadd.remote.s32 $0x1  }
0xc2: {  	_ =	sfence.sel $0xFFFF  }
0xc3: {  	[dreg:$0x0] =	wrdreg $0xFFFFFFFF;
	(pc) =	sbr.abs _section_cstart, $3  }
0xc4: {  	[dreg:$0x1] =	wrdreg $0xFFFFFFFF  }
0xc5: {  	_ =	task.clear_ibuf [dreg:s9], $0x2FFFF;
	_ =	strace $0x9FFFFFFF  }
0xc6: {  	(tm) =	ssettm $0x7FFFFFFF  }
0xc7: {  	_ =	shalt  }
tec
execute0_lowered:
.L_overlay_start_1:
0x0: {  	(tag) =	ssettag $0x1  }
0x1: {  	s0 =	srdreg.scid;
	s11 =	stileid.u32  }
0x2: {  	s6 =	sand.u32 $0x1, s0;
	s28 =	sshll.u32 s11, $0x1  }
0x3: {  	s12 =	sor.u32 s6, s28  }
0x4: {  	p3 =	sgt.s32 s12, $0x7  }
0x5: {  	p2 =	sgt.s32 @p3 s12, $0xB  }
0x6: {  	p0 =	por p2, !p3  }
0x7: {  	s0 =	simm.s32 @!p2 $0x0;
	p4 =	sgt.s32 @!p0 s12, $0x9  }
0x8: {  	s0 =	simm.s32 @p2 $0x1;
	p1 =	por @p3 !p4, p2  }
0x9: {  	[smem:$0x7D8] =	sst s0;
	s0 =	simm.s32 @!p1 $0x0  }
0xa: {  	p6 =	por @p3 p4, p2;
	p2 =	sgt.s32 @!p3 s12, $0x3;
	s0 =	simm.s32 @p1 $0x1  }
0xb: {  	p5 =	por p6, !p3;
	[smem:$0x7E5] =	sst s0;
	s0 =	simm.s32 @!p2 $0x0  }
0xc: {  	p6 =	por p2, p3;
	p1 =	por p1, !p3;
	s0 =	simm.s32 @p2 $0x1  }
0xd: {  	p1 =	seq.s32 @!p1 s12, $0xA;
	[smem:$0x7E1] =	sst s0;
	s0 =	simm.s32 @!p6 $0x0  }
0xe: {  	p1 =	por @!p0 !p1, !p4;
	s0 =	simm.s32 @p6 $0x1;
	s29 =	sld [smem:$0x7E1]  }
0xf: {  	p2 =	seq.s32 @!p5 s12, $0x8;
	[smem:$0x7D4] =	sst s0;
	s0 =	simm.s32 @!p1 $0x0  }
0x10: {  	p0 =	por @!p0 !p2, p4;
	s0 =	simm.s32 @p1 $0x1;
	p1 =	sgt.s32 @!p6 s12, $0x1  }
0x11: {  	[smem:$0x7E0] =	sst s0;
	s0 =	simm.s32 @!p0 $0x0;
	p2 =	seq.s32 s29, $0x1  }
0x12: {  	s0 =	simm.s32 @p0 $0x1;
	p4 =	por @!p3 !p1, p2  }
0x13: {  	[smem:$0x7E2] =	sst s0;
	s0 =	simm.s32 @!p4 $0x0  }
0x14: {  	p6 =	por @!p3 p1, p2;
	s0 =	simm.s32 @p4 $0x1;
	p4 =	por p4, p3  }
0x15: {  	p0 =	sgt.s32 s12, $0x17;
	p5 =	seq.s32 @!p4 s12, $0x2;
	p4 =	por p6, p3  }
0x16: {  	p2 =	sgt.s32 @p0 s12, $0x1B;
	[smem:$0x7EE] =	sst s0;
	s0 =	simm.s32 @!p4 $0x0  }
0x17: {  	s30 =	sld [smem:$0x7D4];
	s0 =	simm.s32 @p4 $0x1;
	p4 =	por p2, !p0  }
0x18: {  	[smem:$0x7D3] =	sst s0;
	s0 =	simm.s32 @!p4 $0x0  }
0x19: {  	s0 =	simm.s32 @p4 $0x1  }
0x1a: {  	p6 =	por p2, p2;
	[smem:$0x7D7] =	sst s0;
	s0 =	simm.s32 @!p2 $0x0  }
0x1b: {  	s31 =	sld [smem:$0x7D3];
	s0 =	simm.s32 @p2 $0x1;
	p2 =	seq.s32 s30, $0x1  }
0x1c: {  	s1 =	sld [smem:$0x7D4];
	p2 =	por @!p2 !p5, !p1  }
0x1d: {  	[smem:$0x7EC] =	sst s0;
	s0 =	simm.s32 @!p2 $0x0  }
0x1e: {  	s0 =	simm.s32 @p2 $0x1;
	p2 =	seq.s32 s31, $0x1  }
0x1f: {  	p5 =	seq.s32 @!p2 s12, $0x0;
	p2 =	sgt.s32 @!p4 s12, $0x19;
	p4 =	seq.s32 s1, $0x1  }
0x20: {  	p1 =	por @!p4 !p5, p1  }
0x21: {  	[smem:$0x7EA] =	sst s0;
	s0 =	simm.s32 @!p1 $0x0  }
0x22: {  	s0 =	simm.s32 @p1 $0x1;
	p1 =	por @p0 !p2, p6  }
0x23: {  	p4 =	sgt.s32 @!p0 s12, $0x13;
	[smem:$0x7ED] =	sst s0;
	s0 =	simm.s32 @!p1 $0x0  }
0x24: {  	p5 =	por @p0 p2, p6;
	p6 =	por p4, p0;
	s0 =	simm.s32 @p1 $0x1  }
0x25: {  	p1 =	por p1, !p0;
	[smem:$0x7F7] =	sst s0;
	s0 =	simm.s32 @!p6 $0x0  }
0x26: {  	p1 =	seq.s32 @!p1 s12, $0x1A;
	s0 =	simm.s32 @p6 $0x1  }
0x27: {  	[smem:$0x7DC] =	sst s0;
	s0 =	simm.s32 @!p1 $0x0  }
0x28: {  	s2 =	sld [smem:$0x7D7];
	s0 =	simm.s32 @p1 $0x1  }
0x29: {  	[smem:$0x7D5] =	sst s0  }
0x2a: {  	p1 =	por p5, !p0;
	s3 =	sld [smem:$0x7D5]  }
0x2b: {  	s0 =	simm.s32 @!p1 $0x0  }
0x2c: {  	s0 =	simm.s32 @p1 $0x1  }
0x2d: {  	p1 =	sgt.s32 @!p6 s12, $0x11;
	p6 =	seq.s32 s2, $0x1;
	p5 =	seq.s32 s3, $0x1  }
0x2e: {  	s5 =	sld [smem:$0x7D7];
	p6 =	por @!p6 !p5, !p2  }
0x2f: {  	[smem:$0x7D6] =	sst s0;
	s0 =	simm.s32 @!p6 $0x0  }
0x30: {  	s4 =	sld [smem:$0x7D6];
	s0 =	simm.s32 @p6 $0x1  }
0x31: {  	[smem:$0x7F4] =	sst s0;
	s0 =	simm.s32 @!p4 $0x0  }
0x32: {  	s7 =	sld [smem:$0x7D8];
	p6 =	por @!p0 !p1, p4;
	s0 =	simm.s32 @p4 $0x1  }
0x33: {  	p5 =	seq.s32 s4, $0x1;
	[smem:$0x7F8] =	sst s0;
	s0 =	simm.s32 @!p6 $0x0  }
0x34: {  	p5 =	seq.s32 @!p5 s12, $0x18;
	s0 =	simm.s32 @p6 $0x1;
	p6 =	seq.s32 s5, $0x1  }
0x35: {  	p2 =	por @!p6 !p5, p2  }
0x36: {  	[smem:$0x7FD] =	sst s0;
	p5 =	seq.s32 s7, $0x1;
	s0 =	simm.s32 @!p2 $0x0  }
0x37: {  	s8 =	sld [smem:$0x7FD];
	s0 =	simm.s32 @p2 $0x1;
	p2 =	por !p5, !p3  }
0x38: {  	[smem:$0x7F6] =	sst s0;
	s0 =	simm.s32 @!p2 $0x0  }
0x39: {  	s0 =	simm.s32 @p2 $0x1  }
0x3a: {  	p6 =	seq.s32 s8, $0x1;
	[smem:$0x7E9] =	sst s0  }
0x3b: {  	p2 =	por p6, p0;
	s9 =	sld [smem:$0x7E9]  }
0x3c: {  	p2 =	seq.s32 @!p2 s12, $0x12  }
0x3d: {  	s0 =	simm.s32 @!p2 $0x0  }
0x3e: {  	s13 =	sld [smem:$0x7DC];
	s0 =	simm.s32 @p2 $0x1;
	p2 =	seq.s32 s9, $0x1  }
0x3f: {  	[smem:$0x7D9] =	sst s0;
	p6 =	sgt.s32 @!p2 s12, $0xD;
	p2 =	por @!p0 p1, p4  }
0x40: {  	s10 =	sld [smem:$0x7D9];
	s0 =	simm.s32 @!p2 $0x0  }
0x41: {  	s0 =	simm.s32 @p2 $0x1  }
0x42: {  	[smem:$0x7DA] =	sst s0  }
0x43: {  	p2 =	seq.s32 s13, $0x1;
	p4 =	seq.s32 s10, $0x1;
	s14 =	sld [smem:$0x7DA]  }
0x44: {  	s26 =	sld [smem:$0x7E5];
	p4 =	por @!p2 !p4, !p1  }
0x45: {  	s22 =	sld [smem:$0x7E1];
	s0 =	simm.s32 @!p4 $0x0  }
0x46: {  	s21 =	sld [smem:$0x7E0];
	s0 =	simm.s32 @p4 $0x1;
	p4 =	seq.s32 s14, $0x1  }
0x47: {  	s23 =	sld [smem:$0x7E2];
	p2 =	por p4, p0;
	p4 =	por @p3 !p6, !p5  }
0x48: {  	[smem:$0x7FB] =	sst s0;
	s0 =	simm.s32 @!p4 $0x0  }
0x49: {  	s16 =	sld [smem:$0x7DC];
	p2 =	seq.s32 @!p2 s12, $0x10;
	s0 =	simm.s32 @p4 $0x1  }
0x4a: {  	[smem:$0x7DF] =	sst s0;
	s0 =	simm.s32 @!p2 $0x0  }
0x4b: {  	s3 =	rddreg [dreg:$0x0];
	s0 =	simm.s32 @p2 $0x1;
	p2 =	por p4, !p3  }
0x4c: {  	[smem:$0x7DB] =	sst s0;
	s0 =	simm.s32 @!p2 $0x0  }
0x4d: {  	s7 =	sld [smem:$0x7EA];
	s0 =	simm.s32 @p2 $0x1;
	p2 =	por @p3 p6, !p5  }
0x4e: {  	[smem:$0x7DD] =	sst s0;
	s0 =	simm.s32 @!p2 $0x0  }
0x4f: {  	s15 =	sld [smem:$0x7DB];
	s0 =	simm.s32 @p2 $0x1  }
0x50: {  	[smem:$0x7DE] =	sst s0  }
0x51: {  	s2 =	sadd.s32 $0x61C20, s3;
	s1 =	sadd.s32 $0xAB150, s3;
	s18 =	sld [smem:$0x7DE]  }
0x52: {  	p4 =	seq.s32 s16, $0x1;
	s17 =	sld [smem:$0x7DD];
	p2 =	seq.s32 s15, $0x1  }
0x53: {  	s4 =	sadd.s32 $0x20, s3;
	s19 =	sld [smem:$0x7E9];
	p1 =	por @!p4 !p2, p1  }
0x54: {  	s20 =	sld [smem:$0x7DF];
	s0 =	simm.s32 @!p1 $0x0;
	p4 =	seq.s32 s18, $0x1  }
0x55: {  	s0 =	simm.s32 @p1 $0x1;
	p1 =	seq.s32 s17, $0x1;
	p2 =	por p4, !p3  }
0x56: {  	p1 =	seq.s32 @!p1 s12, $0xE;
	p4 =	seq.s32 s19, $0x1;
	p2 =	seq.s32 @!p2 s12, $0xC  }
0x57: {  	[smem:$0x7FC] =	sst s0;
	p1 =	por @!p4 !p1, !p6;
	p2 =	por @!p4 !p2, p6  }
0x58: {  	s0 =	sadd.s32 $0x50, s3;
	p1 =	por @p3 !p1, !p5;
	p2 =	por @p3 !p2, !p5  }
0x59: {  	p4 =	seq.s32 s20, $0x1;
	p1 =	por !p1, !p3;
	p2 =	por !p2, !p3  }
0x5a: {  	s2 =	smov.u32 @p1 s0;
	p1 =	por !p4, !p3;
	s1 =	smov.u32 @p2 s4  }
0x5b: {  	s8 =	sld [smem:$0x7EC];
	s1 =	smov.u32 @p1 s2;
	p1 =	seq.s32 s21, $0x1  }
0x5c: {  	p6 =	seq.s32 s22, $0x1;
	s0 =	sadd.s32 $0x30E30, s3;
	p1 =	por @p3 !p1, p5  }
0x5d: {  	p2 =	por !p6, p3;
	s2 =	sadd.s32 $0x61C50, s3;
	p1 =	por !p1, !p3  }
0x5e: {  	p4 =	sgt.s32 @!p2 s12, $0x5;
	s2 =	smov.u32 @p1 s0;
	p1 =	seq.s32 s23, $0x1  }
0x5f: {  	s31 =	sld [smem:$0x7E9];
	p5 =	por @p3 !p1, p5;
	p1 =	por @!p3 !p4, !p6  }
0x60: {  	s9 =	sld [smem:$0x7ED];
	s5 =	simm.s32 @!p1 $0x0  }
0x61: {  	s10 =	sld [smem:$0x7EE];
	p5 =	por !p5, !p3;
	s5 =	simm.s32 @p1 $0x1  }
0x62: {  	[smem:$0x7EB] =	sst s5;
	s5 =	simm.s32 @!p5 $0x0  }
0x63: {  	s5 =	simm.s32 @p5 $0x1;
	p5 =	por p1, p3;
	p1 =	por @!p3 p4, !p6  }
0x64: {  	[smem:$0x7E3] =	sst s5;
	s5 =	simm.s32 @!p1 $0x0  }
0x65: {  	s5 =	simm.s32 @p1 $0x1;
	s24 =	sld [smem:$0x7E3]  }
0x66: {  	[smem:$0x7E4] =	sst s5  }
0x67: {  	s4 =	sadd.s32 $0x30E00, s3;
	s25 =	sld [smem:$0x7E4]  }
0x68: {  	s0 =	sadd.s32 $0xAB120, s3;
	p5 =	seq.s32 @!p5 s12, $0x6;
	p1 =	seq.s32 s24, $0x1  }
0x69: {  	s18 =	sld [smem:$0x7F4];
	s4 =	smov.u32 @p1 s0;
	s0 =	simm.s32 @!p5 $0x0  }
0x6a: {  	s20 =	sld [smem:$0x7F8];
	s0 =	simm.s32 @p5 $0x1;
	p5 =	seq.s32 s25, $0x1  }
0x6b: {  	[smem:$0x7E6] =	sst s0;
	p1 =	por p5, p3  }
0x6c: {  	s0 =	simm.s32 @!p1 $0x0;
	s28 =	sld [smem:$0x7E6]  }
0x6d: {  	s22 =	sld [smem:$0x7F7];
	s0 =	simm.s32 @p1 $0x1  }
0x6e: {  	p1 =	seq.s32 s26, $0x1;
	[smem:$0x7E7] =	sst s0  }
0x6f: {  	p5 =	por !p1, !p3;
	s0 =	simm.s32 @!p2 $0x0;
	p1 =	seq.s32 s28, $0x1  }
0x70: {  	s21 =	sld [smem:$0x7F6];
	s0 =	simm.s32 @p2 $0x1;
	p1 =	por @!p2 !p1, !p4  }
0x71: {  	[smem:$0x7F2] =	sst s0;
	s0 =	simm.s32 @!p1 $0x0  }
0x72: {  	s29 =	sld [smem:$0x7E7];
	s0 =	simm.s32 @p1 $0x1  }
0x73: {  	[smem:$0x7E8] =	sst s0  }
0x74: {  	s30 =	sld [smem:$0x7E8]  }
0x75: {  	s23 =	sld [smem:$0x7F8];
	p1 =	seq.s32 s29, $0x1  }
0x76: {  	s4 =	smov.u32 @p5 s2;
	s2 =	sadd.s32 $0x49550, s3;
	p1 =	seq.s32 @!p1 s12, $0x4  }
0x77: {  	p1 =	por @!p2 !p1, p4;
	p4 =	seq.s32 s31, $0x1;
	p2 =	seq.s32 s30, $0x1  }
0x78: {  	s0 =	sadd.s32 $0x7A340, s3;
	s1 =	smov.u32 @p4 s4;
	p2 =	por @!p3 !p2, !p6  }
0x79: {  	p1 =	por @!p3 !p1, !p6;
	s4 =	sadd.s32 $0x40, s3;
	p2 =	por !p2, p3  }
0x7a: {  	p1 =	por !p1, p3;
	s2 =	smov.u32 @p2 s0;
	s0 =	sadd.s32 $0x70, s3  }
0x7b: {  	s0 =	smov.u32 @p1 s4;
	p1 =	seq.s32 s7, $0x1;
	s7 =	sld [smem:$0x7EB]  }
0x7c: {  	s5 =	sadd.s32 $0x49570, s3;
	s26 =	sld [smem:$0x7FB];
	p1 =	por @!p3 !p1, p6  }
0x7d: {  	p5 =	por p6, p6;
	s4 =	sadd.s32 $0xAB170, s3;
	p1 =	por !p1, p3  }
0x7e: {  	p4 =	seq.s32 s8, $0x1;
	p6 =	seq.s32 s7, $0x1;
	s5 =	smov.u32 @p1 s4  }
0x7f: {  	p1 =	seq.s32 s9, $0x1;
	p2 =	por !p6, p3;
	p6 =	por !p4, !p0  }
0x80: {  	s0 =	smov.u32 @p2 s2;
	p2 =	por @!p3 !p1, p5;
	p5 =	sgt.s32 @!p6 s12, $0x1D  }
0x81: {  	s28 =	sld [smem:$0x7FC];
	p1 =	por @p0 !p5, !p4  }
0x82: {  	s4 =	sadd.s32 $0x61C30, s3;
	s2 =	sadd.s32 $0x7A350, s3;
	s7 =	simm.s32 @!p1 $0x0  }
0x83: {  	p2 =	por !p2, p3;
	s7 =	simm.s32 @p1 $0x1;
	p1 =	por p1, !p0  }
0x84: {  	s16 =	sld [smem:$0x7F2];
	s4 =	smov.u32 @p2 s2;
	s2 =	simm.s32 @!p1 $0x0  }
0x85: {  	s6 =	ssub.s32 $0x2, s6;
	s29 =	rddreg [dreg:$0x2];
	s2 =	simm.s32 @p1 $0x1  }
0x86: {  	s31 =	sshrl.u32 s6, $0x1;
	s8 =	sshll.u32 s11, $0xC;
	[smem:$0x7EF] =	sst s2  }
0x87: {  	s9 =	sshll.u32 s12, $0x4;
	p1 =	por @p0 p5, !p4;
	s13 =	sld [smem:$0x7EF]  }
0x88: {  	s30 =	sld [smem:$0x7FD];
	s8 =	sor.u32 s8, s9;
	s2 =	simm.s32 @!p1 $0x0  }
0x89: {  	p2 =	por p4, p4;
	s2 =	simm.s32 @p1 $0x1;
	p1 =	seq.s32 s10, $0x1  }
0x8a: {  	[smem:$0x7F5] =	sst s7;
	p4 =	por !p1, p3;
	p1 =	seq.s32 s13, $0x1  }
0x8b: {  	s8 =	sand.u32 $0xC070, s8;
	s19 =	sld [smem:$0x7F5];
	p1 =	seq.s32 @!p1 s12, $0x1E  }
0x8c: {  	s10 =	ssub.s32 s6, s31;
	[smem:$0x7F0] =	sst s2;
	s2 =	simm.s32 @!p1 $0x0  }
0x8d: {  	s6 =	sadd.s32 s29, s8;
	s14 =	sld [smem:$0x7F0];
	s2 =	simm.s32 @p1 $0x1  }
0x8e: {  	s7 =	sadd.s32 $0x30E60, s3;
	s8 =	sadd.s32 $0x2000, s6;
	[smem:$0x7F1] =	sst s2  }
0x8f: {  	s9 =	sadd.s32 $0x3000, s6;
	s10 =	smax.u32 s10, $0x1;
	s15 =	sld [smem:$0x7F1]  }
0x90: {  	s4 =	smov.u32 @p4 s5;
	s13 =	sadd.s32 $0x61C00, s3;
	p1 =	seq.s32 s14, $0x1  }
0x91: {  	s14 =	sadd.s32 $0x49560, s3;
	p1 =	por p1, !p0;
	s2 =	simm.s32 @!p6 $0x0  }
0x92: {  	s2 =	simm.s32 @p6 $0x1;
	p1 =	seq.s32 @!p1 s12, $0x1C;
	p4 =	seq.s32 s15, $0x1  }
0x93: {  	[smem:$0x7FA] =	sst s2;
	p1 =	por @!p6 !p1, p5;
	p4 =	por @!p6 !p4, !p5  }
0x94: {  	p1 =	por @p0 !p1, !p2;
	s25 =	sld [smem:$0x7FA];
	s2 =	simm.s32 @!p4 $0x0  }
0x95: {  	p1 =	por !p1, !p0;
	s15 =	simm.s32 $0x1;
	s2 =	simm.s32 @p4 $0x1  }
0x96: {  	p5 =	seq.s32 s19, $0x1;
	p6 =	seq.s32 s22, $0x1;
	[smem:$0x7F3] =	sst s2  }
0x97: {  	s19 =	simm.s32 $0x2;
	p4 =	seq.s32 s16, $0x1;
	s17 =	sld [smem:$0x7F3]  }
0x98: {  	p6 =	por !p6, !p0;
	s0 =	smov.u32 @p4 s4;
	s2 =	sadd.s32 $0x92A20, s3  }
0x99: {  	s4 =	sadd.s32 $0x92A10, s3;
	s0 =	smov.u32 @p3 s1;
	s1 =	sadd.s32 $0x18770, s3  }
0x9a: {  	p3 =	por !p5, !p0;
	p5 =	seq.s32 s20, $0x1;
	p4 =	seq.s32 s17, $0x1  }
0x9b: {  	s13 =	smov.u32 @p1 s1;
	p1 =	seq.s32 s18, $0x1;
	p4 =	por @p0 !p4, !p2  }
0x9c: {  	s1 =	sadd.s32 $0x92A50, s3;
	p1 =	por @p0 !p1, p2;
	p4 =	por !p4, !p0  }
0x9d: {  	p1 =	por !p1, !p0;
	s4 =	smov.u32 @p4 s2;
	s2 =	sadd.s32 $0x18730, s3  }
0x9e: {  	s13 =	smov.u32 @p3 s4;
	s2 =	smov.u32 @p1 s1;
	p3 =	por !p5, p0  }
0x9f: {  	p1 =	seq.s32 s21, $0x1;
	s1 =	sadd.s32 $0x18720, s3;
	p4 =	sgt.s32 @!p3 s12, $0x15  }
0xa0: {  	s4 =	sadd.s32 $0x30E20, s3;
	p1 =	por @p0 !p1, p2;
	p2 =	por @!p0 !p4, !p5  }
0xa1: {  	p1 =	por !p1, !p0;
	p5 =	por @!p0 p4, !p5;
	s5 =	simm.s32 @!p2 $0x0  }
0xa2: {  	s4 =	smov.u32 @p1 s1;
	p1 =	por p2, p0;
	p5 =	por p5, p0  }
0xa3: {  	s1 =	sadd.s32 $0xAB100, s3;
	s5 =	simm.s32 @p2 $0x1;
	p1 =	seq.s32 @!p1 s12, $0x16  }
0xa4: {  	p5 =	seq.s32 @!p5 s12, $0x14;
	[smem:$0x7F9] =	sst s5;
	p1 =	por @!p3 !p1, !p4  }
0xa5: {  	p4 =	por @!p3 !p5, p4;
	p5 =	seq.s32 s23, $0x1;
	s24 =	sld [smem:$0x7F9]  }
0xa6: {  	s4 =	smov.u32 @p6 s2;
	s2 =	sadd.s32 $0x92A60, s3;
	p4 =	por @!p0 !p4, !p5  }
0xa7: {  	s5 =	sadd.s32 $0x60, s3;
	p1 =	por @!p0 !p1, !p5;
	p4 =	por !p4, p0  }
0xa8: {  	p1 =	por !p1, p0;
	s1 =	smov.u32 @p4 s7;
	p4 =	seq.s32 s24, $0x1  }
0xa9: {  	p2 =	por p3, p3;
	s5 =	smov.u32 @p1 s2;
	p1 =	por !p4, p0  }
0xaa: {  	p3 =	seq.s32 s25, $0x1;
	s1 =	smov.u32 @p1 s5;
	p1 =	seq.s32 s26, $0x1  }
0xab: {  	s16 =	simm.s32 $0x1C700;
	s13 =	smov.u32 @p3 s4;
	p1 =	por @!p0 !p1, p5  }
0xac: {  	s4 =	sadd.s32 $0x30, s3;
	s2 =	sadd.s32 $0x61C70, s3;
	p1 =	por !p1, p0  }
0xad: {  	s20 =	simm.s32 $0x0;
	s4 =	smov.u32 @p1 s2;
	p1 =	seq.s32 s28, $0x1  }
0xae: {  	s18 =	simm.s32 $0x1E700;
	p6 =	seq.s32 s30, $0x1;
	p1 =	por @!p0 !p1, p5  }
0xaf: {  	s5 =	sadd.s32 $0x7A320, s3;
	s3 =	rddreg [dreg:$0x4];
	p1 =	por !p1, p0  }
0xb0: {  	s2 =	rddreg [dreg:$0x1];
	s14 =	smov.u32 @p1 s5;
	p1 =	por !p6, p0  }
0xb1: {  	s5 =	simm.s32 $0x0;
	s14 =	smov.u32 @p1 s4;
	s4 =	rddreg [dreg:$0x3]  }
0xb2: {  	s17 =	simm.s32 $0x1D700;
	s7 =	sadd.s32 $0x1000, s6;
	[smem:$0x7FF] =	sst s5  }
0xb3: {  	p1 =	sgt.s32 s12, $0xF;
	s12 =	simm.s32 $0x400;
	s1 =	smov.u32 @p2 s14  }
0xb4: {  	_ =	strace $0x80000047;
	s14 =	simm.s32 $0x3;
	s1 =	smov.u32 @p0 s13  }
0xb5: {  	p0 =	sne.s32 s11, $0x0;
	s11 =	simm.s32 $0x80;
	s13 =	simm.s32 $0x18700  }
.LBB2_1:
0xb6: {  	s21 =	smov.u32 @p1 s1  }
0xb7: {  	s21 =	smov.u32 @!p1 s0  }
0xb8: {  	[tilespmem:s5], [sflag:$0x1] =	stream.strided.gather [hbm4b:s21+s11], $0x18700, s12, s11, $0x38;
	[tilespmem:$0x1FB00] =	vst v63  }
0xb9: {  	s22 =	simm.s32 @!p0 $0x1C03;
	s21 =	sshrl.u32 @!p0 s4, $0x3  }
0xba: {  	[spmem:s21], [sflag:s22] =	dma.local @!p0 [hbm:s2], $0x800  }
0xbb: {  	s21 =	simm.s32 @!p0 $0x3  }
0xbc: {  	_ =	swait.ge @!p0 [sflag:s21], $0x800  }
0xbd: {  	[sflag:s21] =	ssyncset.done @!p0 $0x0  }
0xbe: {  	[sflag:s21] =	ssyncadd.s32 @!p0 $0xFFFFF800  }
0xbf: {  	[bflag:$0x0] =	sbarrier.arrive $0xFFFF  }
0xc0: {  	[tilespmem:s13], [sflag:$0x3] =	stream.linear.gather [spmem:s4], $0x4000, $0x38;
	[tilespmem:$0x1FB00] =	vst v63  }
0xc1: {  	_ =	swait.ge [sflag:s14], $0x4000  }
0xc2: {  	[sflag:s14] =	ssyncset.done $0x0  }
0xc3: {  	[sflag:s14] =	ssyncadd.s32 $0xFFFFC000  }
0xc4: {  	_ =	swait.ge [sflag:s15], $0x18700  }
0xc5: {  	[sflag:s15] =	ssyncset.done $0x0  }
0xc6: {  	s31 =	simm.s32 $0x18740;
	[sflag:s15] =	ssyncadd.s32 $0xFFFE7900  }
0xc7: {  	v0 =	vld [tilespmem:s31+$0x30]  }
0xc8: {  	v1 =	vld [tilespmem:s31+$0xFFFFFFD0]  }
0xc9: {  	v2 =	vld [tilespmem:s31+$0xFFFFFFE0]  }
0xca: {  	v3 =	vld [tilespmem:s31+$0xFFFFFFF0]  }
0xcb: {  	v4 =	vld [tilespmem:s31+$0x0]  }
0xcc: {  	v6 =	vld [tilespmem:s31+$0x10]  }
0xcd: {  	v7 =	vld [tilespmem:s31+$0x20]  }
0xce: {  	v8 =	vld [tilespmem:s31+$0xFFFFFFC0]  }
0xcf: {  	v9 =	vld.idx.msk [tilespmem:v0+s5+$0x0], $0xffff  }
0xd0: {  	v10 =	vld.idx.msk [tilespmem:v1+s5+$0x0], $0xffff  }
0xd1: {  	v5 =	vld.idx.msk [tilespmem:v2+s5+$0x0], $0xffff  }
0xd2: {  	v3 =	vld.idx.msk [tilespmem:v3+s5+$0x0], $0xffff  }
0xd3: {  	v0 =	vld.idx.msk [tilespmem:v4+s5+$0x0], $0xffff  }
0xd4: {  	s21 =	simm.s32 $0x1C740;
	v1 =	vld.idx.msk [tilespmem:v6+s5+$0x0], $0xffff  }
0xd5: {  	v2 =	vld.idx.msk [tilespmem:v7+s5+$0x0], $0xffff;
	[tilespmem:s21+$0x30] =	vst v9  }
0xd6: {  	s23 =	simm.s32 $0x187C0;
	s22 =	simm.s32 $0x0;
	v4 =	vld.idx.msk [tilespmem:v8+s5+$0x0], $0xffff;
	[tilespmem:s21+$0xFFFFFFD0] =	vst v10  }
.LBB2_2:
0xd7: {  	v6 =	vld [tilespmem:s23+$0x30];
	s22 =	sadd.s32 $0x8, s22;
	[tilespmem:s21+$0xFFFFFFE0] =	vst v5  }
0xd8: {  	v5 =	vld [tilespmem:s23+$0xFFFFFFD0];
	p2 =	slt.u32 s22, $0xF8;
	[tilespmem:s21+$0xFFFFFFF0] =	vst v3  }
0xd9: {  	v3 =	vld [tilespmem:s23+$0xFFFFFFE0];
	[tilespmem:s21+$0x0] =	vst v0  }
0xda: {  	v0 =	vld [tilespmem:s23+$0xFFFFFFF0];
	[tilespmem:s21+$0x10] =	vst v1  }
0xdb: {  	v1 =	vld [tilespmem:s23+$0x0];
	[tilespmem:s21+$0x20] =	vst v2  }
0xdc: {  	v2 =	vld [tilespmem:s23+$0x10];
	[tilespmem:s21+$0xFFFFFFC0] =	vst v4  }
0xdd: {  	v4 =	vld [tilespmem:s23+$0x20]  }
0xde: {  	v7 =	vld [tilespmem:s23+$0xFFFFFFC0]  }
0xdf: {  	v6 =	vld.idx.msk [tilespmem:v6+s5+$0x0], $0xffff  }
0xe0: {  	v8 =	vld.idx.msk [tilespmem:v5+s5+$0x0], $0xffff  }
0xe1: {  	v5 =	vld.idx.msk [tilespmem:v3+s5+$0x0], $0xffff  }
.Ltmp0:
0xe2: {  	v3 =	vld.idx.msk [tilespmem:v0+s5+$0x0], $0xffff;
	(pc) =	sbr.rel @p2 .LBB2_2-.Ltmp0, $4  }
0xe3: {  	v0 =	vld.idx.msk [tilespmem:v1+s5+$0x0], $0xffff  }
0xe4: {  	s21 =	sadd.s32 $0x80, s21;
	v1 =	vld.idx.msk [tilespmem:v2+s5+$0x0], $0xffff  }
0xe5: {  	v2 =	vld.idx.msk [tilespmem:v4+s5+$0x0], $0xffff;
	[tilespmem:s21+$0x30] =	vst v6  }
0xe6: {  	s23 =	sadd.s32 $0x80, s23;
	v4 =	vld.idx.msk [tilespmem:v7+s5+$0x0], $0xffff;
	[tilespmem:s21+$0xFFFFFFD0] =	vst v8  }
0xe7: {  	[tilespmem:s21+$0xFFFFFFE0] =	vst v5  }
0xe8: {  	[tilespmem:s21+$0xFFFFFFF0] =	vst v3  }
0xe9: {  	[tilespmem:s21+$0x0] =	vst v0  }
0xea: {  	[tilespmem:s21+$0x10] =	vst v1  }
0xeb: {  	[tilespmem:s21+$0x20] =	vst v2  }
0xec: {  	s31 =	simm.s32 $0x19770;
	[tilespmem:s21+$0xFFFFFFC0] =	vst v4  }
0xed: {  	[hbm4b:s6+s11] =	stream.strided.scatter [tilespmem:s16], [sflag:$0x2], $0x1000, s12, s11, $0x38;
	[tilespmem:$0x1FB00] =	vst v63  }
0xee: {  	v0 =	vld [tilespmem:s31+$0x0]  }
0xef: {  	v1 =	vld [tilespmem:s31+$0xFFFFFFA0]  }
0xf0: {  	v2 =	vld [tilespmem:s31+$0xFFFFFFB0]  }
0xf1: {  	v3 =	vld [tilespmem:s31+$0xFFFFFFC0]  }
0xf2: {  	v4 =	vld [tilespmem:s31+$0xFFFFFFD0]  }
0xf3: {  	v6 =	vld [tilespmem:s31+$0xFFFFFFE0]  }
0xf4: {  	v7 =	vld [tilespmem:s31+$0xFFFFFFF0]  }
0xf5: {  	v8 =	vld [tilespmem:s31+$0xFFFFFF90]  }
0xf6: {  	v9 =	vld.idx.msk [tilespmem:v0+s5+$0x0], $0xffff  }
0xf7: {  	v10 =	vld.idx.msk [tilespmem:v1+s5+$0x0], $0xffff  }
0xf8: {  	v5 =	vld.idx.msk [tilespmem:v2+s5+$0x0], $0xffff  }
0xf9: {  	v3 =	vld.idx.msk [tilespmem:v3+s5+$0x0], $0xffff  }
0xfa: {  	v0 =	vld.idx.msk [tilespmem:v4+s5+$0x0], $0xffff  }
0xfb: {  	s21 =	simm.s32 $0x1D770;
	v1 =	vld.idx.msk [tilespmem:v6+s5+$0x0], $0xffff  }
0xfc: {  	v2 =	vld.idx.msk [tilespmem:v7+s5+$0x0], $0xffff;
	[tilespmem:s21+$0x0] =	vst v9  }
0xfd: {  	s22 =	simm.s32 $0x0;
	s23 =	simm.s32 $0x197F0;
	v4 =	vld.idx.msk [tilespmem:v8+s5+$0x0], $0xffff;
	[tilespmem:s21+$0xFFFFFFA0] =	vst v10  }
.LBB2_4:
0xfe: {  	v6 =	vld [tilespmem:s23+$0x0];
	s22 =	sadd.s32 $0x8, s22;
	[tilespmem:s21+$0xFFFFFFB0] =	vst v5  }
0xff: {  	v5 =	vld [tilespmem:s23+$0xFFFFFFA0];
	p2 =	slt.u32 s22, $0xF8;
	[tilespmem:s21+$0xFFFFFFC0] =	vst v3  }
0x100: {  	v3 =	vld [tilespmem:s23+$0xFFFFFFB0];
	[tilespmem:s21+$0xFFFFFFD0] =	vst v0  }
0x101: {  	v0 =	vld [tilespmem:s23+$0xFFFFFFC0];
	[tilespmem:s21+$0xFFFFFFE0] =	vst v1  }
0x102: {  	v1 =	vld [tilespmem:s23+$0xFFFFFFD0];
	[tilespmem:s21+$0xFFFFFFF0] =	vst v2  }
0x103: {  	v2 =	vld [tilespmem:s23+$0xFFFFFFE0];
	[tilespmem:s21+$0xFFFFFF90] =	vst v4  }
0x104: {  	v4 =	vld [tilespmem:s23+$0xFFFFFFF0]  }
0x105: {  	v7 =	vld [tilespmem:s23+$0xFFFFFF90]  }
0x106: {  	v6 =	vld.idx.msk [tilespmem:v6+s5+$0x0], $0xffff  }
0x107: {  	v8 =	vld.idx.msk [tilespmem:v5+s5+$0x0], $0xffff  }
0x108: {  	v5 =	vld.idx.msk [tilespmem:v3+s5+$0x0], $0xffff  }
.Ltmp1:
0x109: {  	v3 =	vld.idx.msk [tilespmem:v0+s5+$0x0], $0xffff;
	(pc) =	sbr.rel @p2 .LBB2_4-.Ltmp1, $4  }
0x10a: {  	v0 =	vld.idx.msk [tilespmem:v1+s5+$0x0], $0xffff  }
0x10b: {  	s21 =	sadd.s32 $0x80, s21;
	v1 =	vld.idx.msk [tilespmem:v2+s5+$0x0], $0xffff  }
0x10c: {  	v2 =	vld.idx.msk [tilespmem:v4+s5+$0x0], $0xffff;
	[tilespmem:s21+$0x0] =	vst v6  }
0x10d: {  	s23 =	sadd.s32 $0x80, s23;
	v4 =	vld.idx.msk [tilespmem:v7+s5+$0x0], $0xffff;
	[tilespmem:s21+$0xFFFFFFA0] =	vst v8  }
0x10e: {  	[tilespmem:s21+$0xFFFFFFB0] =	vst v5  }
0x10f: {  	[tilespmem:s21+$0xFFFFFFC0] =	vst v3  }
0x110: {  	[tilespmem:s21+$0xFFFFFFD0] =	vst v0  }
0x111: {  	[tilespmem:s21+$0xFFFFFFE0] =	vst v1  }
0x112: {  	[tilespmem:s21+$0xFFFFFFF0] =	vst v2  }
0x113: {  	s31 =	simm.s32 $0x1A770;
	[tilespmem:s21+$0xFFFFFF90] =	vst v4  }
0x114: {  	[hbm4b:s7+s11] =	stream.strided.scatter [tilespmem:s17], [sflag:$0x2], $0x1000, s12, s11, $0x38;
	[tilespmem:$0x1FB00] =	vst v63  }
0x115: {  	v0 =	vld [tilespmem:s31+$0x0]  }
0x116: {  	v1 =	vld [tilespmem:s31+$0xFFFFFFA0]  }
0x117: {  	v2 =	vld [tilespmem:s31+$0xFFFFFFB0]  }
0x118: {  	v3 =	vld [tilespmem:s31+$0xFFFFFFC0]  }
0x119: {  	v4 =	vld [tilespmem:s31+$0xFFFFFFD0]  }
0x11a: {  	v6 =	vld [tilespmem:s31+$0xFFFFFFE0]  }
0x11b: {  	v7 =	vld [tilespmem:s31+$0xFFFFFFF0]  }
0x11c: {  	v8 =	vld [tilespmem:s31+$0xFFFFFF90]  }
0x11d: {  	v9 =	vld.idx.msk [tilespmem:v0+s5+$0x0], $0xffff  }
0x11e: {  	v10 =	vld.idx.msk [tilespmem:v1+s5+$0x0], $0xffff  }
0x11f: {  	v5 =	vld.idx.msk [tilespmem:v2+s5+$0x0], $0xffff  }
0x120: {  	v3 =	vld.idx.msk [tilespmem:v3+s5+$0x0], $0xffff  }
0x121: {  	v0 =	vld.idx.msk [tilespmem:v4+s5+$0x0], $0xffff  }
0x122: {  	s21 =	simm.s32 $0x1E770;
	v1 =	vld.idx.msk [tilespmem:v6+s5+$0x0], $0xffff  }
0x123: {  	v2 =	vld.idx.msk [tilespmem:v7+s5+$0x0], $0xffff;
	[tilespmem:s21+$0x0] =	vst v9  }
0x124: {  	s22 =	simm.s32 $0x0;
	s23 =	simm.s32 $0x1A7F0;
	v4 =	vld.idx.msk [tilespmem:v8+s5+$0x0], $0xffff;
	[tilespmem:s21+$0xFFFFFFA0] =	vst v10  }
.LBB2_6:
0x125: {  	v6 =	vld [tilespmem:s23+$0x0];
	s22 =	sadd.s32 $0x8, s22;
	[tilespmem:s21+$0xFFFFFFB0] =	vst v5  }
0x126: {  	v5 =	vld [tilespmem:s23+$0xFFFFFFA0];
	p2 =	slt.u32 s22, $0xF8;
	[tilespmem:s21+$0xFFFFFFC0] =	vst v3  }
0x127: {  	v3 =	vld [tilespmem:s23+$0xFFFFFFB0];
	[tilespmem:s21+$0xFFFFFFD0] =	vst v0  }
0x128: {  	v0 =	vld [tilespmem:s23+$0xFFFFFFC0];
	[tilespmem:s21+$0xFFFFFFE0] =	vst v1  }
0x129: {  	v1 =	vld [tilespmem:s23+$0xFFFFFFD0];
	[tilespmem:s21+$0xFFFFFFF0] =	vst v2  }
0x12a: {  	v2 =	vld [tilespmem:s23+$0xFFFFFFE0];
	[tilespmem:s21+$0xFFFFFF90] =	vst v4  }
0x12b: {  	v4 =	vld [tilespmem:s23+$0xFFFFFFF0]  }
0x12c: {  	v7 =	vld [tilespmem:s23+$0xFFFFFF90]  }
0x12d: {  	v6 =	vld.idx.msk [tilespmem:v6+s5+$0x0], $0xffff  }
0x12e: {  	v8 =	vld.idx.msk [tilespmem:v5+s5+$0x0], $0xffff  }
0x12f: {  	v5 =	vld.idx.msk [tilespmem:v3+s5+$0x0], $0xffff  }
.Ltmp2:
0x130: {  	v3 =	vld.idx.msk [tilespmem:v0+s5+$0x0], $0xffff;
	(pc) =	sbr.rel @p2 .LBB2_6-.Ltmp2, $4  }
0x131: {  	v0 =	vld.idx.msk [tilespmem:v1+s5+$0x0], $0xffff  }
0x132: {  	s21 =	sadd.s32 $0x80, s21;
	v1 =	vld.idx.msk [tilespmem:v2+s5+$0x0], $0xffff  }
0x133: {  	v2 =	vld.idx.msk [tilespmem:v4+s5+$0x0], $0xffff;
	[tilespmem:s21+$0x0] =	vst v6  }
0x134: {  	s23 =	sadd.s32 $0x80, s23;
	v4 =	vld.idx.msk [tilespmem:v7+s5+$0x0], $0xffff;
	[tilespmem:s21+$0xFFFFFFA0] =	vst v8  }
0x135: {  	[tilespmem:s21+$0xFFFFFFB0] =	vst v5  }
0x136: {  	[tilespmem:s21+$0xFFFFFFC0] =	vst v3  }
0x137: {  	[tilespmem:s21+$0xFFFFFFD0] =	vst v0  }
0x138: {  	[tilespmem:s21+$0xFFFFFFE0] =	vst v1  }
0x139: {  	[tilespmem:s21+$0xFFFFFFF0] =	vst v2  }
0x13a: {  	[tilespmem:s21+$0xFFFFFF90] =	vst v4  }
0x13b: {  	[hbm4b:s8+s11] =	stream.strided.scatter [tilespmem:s18], [sflag:$0x2], $0x1000, s12, s11, $0x38;
	[tilespmem:$0x1FB00] =	vst v63  }
0x13c: {  	_ =	swait.ge [sflag:s19], $0x1000  }
0x13d: {  	[sflag:s19] =	ssyncset.done $0x0  }
0x13e: {  	s31 =	simm.s32 $0x1B770;
	[sflag:s19] =	ssyncadd.s32 $0xFFFFF000  }
0x13f: {  	v0 =	vld [tilespmem:s31+$0x0]  }
0x140: {  	v1 =	vld [tilespmem:s31+$0xFFFFFFA0]  }
0x141: {  	v2 =	vld [tilespmem:s31+$0xFFFFFFB0]  }
0x142: {  	v3 =	vld [tilespmem:s31+$0xFFFFFFC0]  }
0x143: {  	v4 =	vld [tilespmem:s31+$0xFFFFFFD0]  }
0x144: {  	v6 =	vld [tilespmem:s31+$0xFFFFFFE0]  }
0x145: {  	v7 =	vld [tilespmem:s31+$0xFFFFFFF0]  }
0x146: {  	v8 =	vld [tilespmem:s31+$0xFFFFFF90]  }
0x147: {  	v9 =	vld.idx.msk [tilespmem:v0+s5+$0x0], $0xffff  }
0x148: {  	v10 =	vld.idx.msk [tilespmem:v1+s5+$0x0], $0xffff  }
0x149: {  	v5 =	vld.idx.msk [tilespmem:v2+s5+$0x0], $0xffff  }
0x14a: {  	v3 =	vld.idx.msk [tilespmem:v3+s5+$0x0], $0xffff  }
0x14b: {  	v0 =	vld.idx.msk [tilespmem:v4+s5+$0x0], $0xffff  }
0x14c: {  	s21 =	simm.s32 $0x1C740;
	v1 =	vld.idx.msk [tilespmem:v6+s5+$0x0], $0xffff  }
0x14d: {  	v2 =	vld.idx.msk [tilespmem:v7+s5+$0x0], $0xffff;
	[tilespmem:s21+$0x30] =	vst v9  }
0x14e: {  	s22 =	simm.s32 $0x0;
	s23 =	simm.s32 $0x1B7F0;
	v4 =	vld.idx.msk [tilespmem:v8+s5+$0x0], $0xffff;
	[tilespmem:s21+$0xFFFFFFD0] =	vst v10  }
.LBB2_8:
0x14f: {  	v6 =	vld [tilespmem:s23+$0x0];
	s22 =	sadd.s32 $0x8, s22;
	[tilespmem:s21+$0xFFFFFFE0] =	vst v5  }
0x150: {  	v5 =	vld [tilespmem:s23+$0xFFFFFFA0];
	p2 =	slt.u32 s22, $0xF8;
	[tilespmem:s21+$0xFFFFFFF0] =	vst v3  }
0x151: {  	v3 =	vld [tilespmem:s23+$0xFFFFFFB0];
	[tilespmem:s21+$0x0] =	vst v0  }
0x152: {  	v0 =	vld [tilespmem:s23+$0xFFFFFFC0];
	[tilespmem:s21+$0x10] =	vst v1  }
0x153: {  	v1 =	vld [tilespmem:s23+$0xFFFFFFD0];
	[tilespmem:s21+$0x20] =	vst v2  }
0x154: {  	v2 =	vld [tilespmem:s23+$0xFFFFFFE0];
	[tilespmem:s21+$0xFFFFFFC0] =	vst v4  }
0x155: {  	v4 =	vld [tilespmem:s23+$0xFFFFFFF0]  }
0x156: {  	v7 =	vld [tilespmem:s23+$0xFFFFFF90]  }
0x157: {  	v6 =	vld.idx.msk [tilespmem:v6+s5+$0x0], $0xffff  }
0x158: {  	v8 =	vld.idx.msk [tilespmem:v5+s5+$0x0], $0xffff  }
0x159: {  	v5 =	vld.idx.msk [tilespmem:v3+s5+$0x0], $0xffff  }
.Ltmp3:
0x15a: {  	v3 =	vld.idx.msk [tilespmem:v0+s5+$0x0], $0xffff;
	(pc) =	sbr.rel @p2 .LBB2_8-.Ltmp3, $4  }
0x15b: {  	v0 =	vld.idx.msk [tilespmem:v1+s5+$0x0], $0xffff  }
0x15c: {  	s21 =	sadd.s32 $0x80, s21;
	v1 =	vld.idx.msk [tilespmem:v2+s5+$0x0], $0xffff  }
0x15d: {  	v2 =	vld.idx.msk [tilespmem:v4+s5+$0x0], $0xffff;
	[tilespmem:s21+$0x30] =	vst v6  }
0x15e: {  	s23 =	sadd.s32 $0x80, s23;
	v4 =	vld.idx.msk [tilespmem:v7+s5+$0x0], $0xffff;
	[tilespmem:s21+$0xFFFFFFD0] =	vst v8  }
0x15f: {  	[tilespmem:s21+$0xFFFFFFE0] =	vst v5  }
0x160: {  	[tilespmem:s21+$0xFFFFFFF0] =	vst v3  }
0x161: {  	[tilespmem:s21+$0x0] =	vst v0  }
0x162: {  	[tilespmem:s21+$0x10] =	vst v1  }
0x163: {  	[tilespmem:s21+$0x20] =	vst v2  }
0x164: {  	[tilespmem:s21+$0xFFFFFFC0] =	vst v4  }
0x165: {  	[hbm4b:s9+s11] =	stream.strided.scatter [tilespmem:s16], [sflag:$0x2], $0x1000, s12, s11, $0x38;
	[tilespmem:$0x1FB00] =	vst v63  }
0x166: {  	_ =	swait.ge [sflag:s19], $0x1000  }
0x167: {  	[sflag:s19] =	ssyncset.done $0x0  }
0x168: {  	s20 =	sadd.s32 $0x1, s20;
	[sflag:s19] =	ssyncadd.s32 $0xFFFFF000  }
0x169: {  	p2 =	sne.s32 s20, s10;
	_ =	swait.ge [sflag:s19], $0x1000  }
.Ltmp4:
0x16a: {  	[sflag:s19] =	ssyncset.done $0x0;
	(pc) =	sbr.rel @p2 .LBB2_1-.Ltmp4, $4  }
0x16b: {  	[sflag:s19] =	ssyncadd.s32 $0xFFFFF000  }
0x16c: {  	_ =	swait.ge [sflag:s19], $0x1000  }
0x16d: {  	[sflag:s19] =	ssyncset.done $0x0  }
0x16e: {  	[sflag:s19] =	ssyncadd.s32 $0xFFFFF000  }
0x16f: {  	_ =	sfence.sel $0x180000  }
0x170: {  	[bflag:$0x0] =	sbarrier.arrive $0xFFFF  }
0x171: {  	_ =	strace $0x90000047  }
0x172: {  	s0 =	sadd.s32 @!p0 $0x100000, s3;
	[bflag:$0x2] =	sbarrier.arrive $0xFFFF  }
0x173: {  	[sflag:s0] =	ssyncadd.tile.s32 @!p0 $0x1;
	_ =	shalt  }
.Lfunc_end2:
_tile_overlayer_lowered:
.L_overlay_start_2:
0x174: {  	(tag) =	ssettag $0x2  }
0x175: {  	s0 =	rddreg [dreg:$0x0];
	s2 =	stileid.u32  }
0x176: {  	s1 =	rddreg [dreg:$0x1];
	p0 =	sne.s32 s2, $0x0  }
0x177: {  	s3 =	rddreg [dreg:$0x2];
	[bflag:$0x3] =	sbarrier.arrive $0xFFFF;
	s2 =	simm.s32 @!p0 $0x1C03  }
0x178: {  	[timem:s3], [sflag:s2] =	dma.local @!p0 [hbm:s0], s1  }
0x179: {  	s0 =	simm.s32 @!p0 $0x3  }
0x17a: {  	_ =	swait.ge @!p0 [sflag:s0], s1  }
0x17b: {  	s1 =	ssub.s32 @!p0 $0x0, s1;
	[sflag:s0] =	ssyncset.done @!p0 $0x0  }
0x17c: {  	[sflag:s0] =	ssyncadd.s32 @!p0 s1  }
0x17d: {  	[bflag:$0x3] =	sbarrier.arrive $0xFFFF  }
0x17e: {  	_ =	shalt  }

</sc_bundles>
